<compile_context>
chip_gen: v7x
topology: tpu7x:2x2x1
jax: 0.10.2.dev20260603
libtpu: 0.0.44.dev20260713+nightly
codegen_flags: <defaults>
</compile_context>

<pallas_src>
import functools

import jax
import jax.numpy as jnp
from jax import lax
from jax.experimental import pallas as pl
from jax.experimental.pallas import tpu as pltpu
from jax.experimental.pallas import tpu_sc as plsc

_C = 16


@functools.partial(jax.jit, static_argnums=(2, 3))
def _sc_gather(table, idx, NC, NW):
    B = idx.shape[0]
    D = table.shape[1]
    bpw = B // NW
    mesh = plsc.VectorSubcoreMesh(core_axis_name="c", subcore_axis_name="s")

    @functools.partial(
        pl.kernel,
        mesh=mesh,
        out_type=jax.ShapeDtypeStruct((B, D), jnp.float32),
        scratch_types=[
            pltpu.VMEM((bpw,), jnp.int32),
            pltpu.VMEM((bpw, D), jnp.float32),
            pltpu.SemaphoreType.DMA,
        ],
    )
    def gather_kernel(table_hbm, idx_hbm, out_hbm, idx_v, rows_v, sem):
        wid = lax.axis_index("s") * NC + lax.axis_index("c")
        base = wid * bpw
        pltpu.sync_copy(idx_hbm.at[pl.ds(base, bpw)], idx_v)

        def fire(g, carry):
            off = g * _C
            v16 = idx_v[pl.ds(off, _C)]
            for n in range(_C):
                pltpu.async_copy(table_hbm.at[pl.ds(v16[n], 1)],
                                 rows_v.at[pl.ds(off + n, 1)], sem)
            return carry

        lax.fori_loop(0, bpw // _C, fire, 0)

        def drain(g, carry):
            off = g * _C
            for n in range(_C):
                pltpu.make_async_copy(
                    table_hbm.at[pl.ds(0, 1)],
                    rows_v.at[pl.ds(off + n, 1)], sem).wait()
            return carry

        lax.fori_loop(0, bpw // _C, drain, 0)
        pltpu.sync_copy(rows_v, out_hbm.at[pl.ds(base, bpw)])

    return gather_kernel(table, idx)


def kernel(batch, table):
    info = plsc.get_sparse_core_info()
    NW = info.num_cores * info.num_subcores
    idx = batch[0].astype(jnp.int32)
    return _sc_gather(table, idx, info.num_cores, NW)

# --- scband reference (transcript-rebuilt; emitter-appended) ---
"""Pipeline reference for scband-bpr-seq-query-encoder-35442070126798 (READ-ONLY COPY).

The authoritative reference and input builder live on the scoring server;
editing this copy changes nothing except your own understanding.
"""

import jax, jax.numpy as jnp
import numpy as np

NUM_USERS = 1000000
EMBED_DIM = 64
BATCH = 16384
FUID = 0

def setup_inputs(seed: int = 0) -> dict:
    key = jax.random.key(seed)
    k1, k2 = jax.random.split(key)
    # 'batch' in the torch module is a dict; here fuid=0 so batch[fuid] indexes the
    # first row of a [1, B] index tensor, matching batch[self.fuid].
    batch = jax.random.randint(k1, (1, BATCH), 0, NUM_USERS, dtype=jnp.int64)
    table = jax.random.normal(k2, (NUM_USERS, EMBED_DIM), dtype=jnp.float32)
    # torch.nn.Embedding with padding_idx=0 zeros row 0 at init
    table = table.at[0].set(0.0)
    return {"batch": batch, "table": table}

def reference(batch, table):
    idx = batch[FUID]
    return jnp.take(table, idx, axis=0)

if __name__ == "__main__":
    import jax
    _d = setup_inputs()
    print(jax.jit(kernel)(*tuple(_d.values())))

</pallas_src>

<mosaic_0001>
#map = affine_map<(d0, d1) -> (0, 0)>
#map1 = affine_map<(d0, d1) -> (0)>
module attributes {stable_mosaic.version = 14 : i64} {
  func.func @gather_kernel(%arg0: i32, %arg1: i32, %arg2: memref<1000000x64xf32, #tpu.memory_space<hbm>>, %arg3: memref<16384xi32, #tpu.memory_space<hbm>>, %arg4: memref<16384x64xf32, #tpu.memory_space<hbm>>, %arg5: memref<512xi32, #tpu.memory_space<vmem>>, %arg6: memref<512x64xf32, #tpu.memory_space<vmem>>, %arg7: memref<!tpu.dma_semaphore, #tpu.memory_space<semaphore_mem>>) attributes {dimension_semantics = [#tpu.dimension_semantics<core_parallel>, #tpu.dimension_semantics<subcore_parallel>], iteration_bounds = array<i64: 2, 16>, scalar_prefetch = 0 : i64, scratch_operands = 3 : i64, tpu.core_type = #tpu.core_type<sc_vector_subcore>, window_params = [{transform_indices = #map}, {transform_indices = #map1}, {transform_indices = #map}]} {
    %mul3A = arith.constant 2 : i32
    %mul3A_0 = arith.muli %arg1, %mul3A : i32
    %add3A = arith.addi %mul3A_0, %arg0 : i32
    %mul3A_1 = arith.constant 512 : i32
    %mul3A_2 = arith.muli %add3A, %mul3A_1 : i32
    "tpu.region"() ({
      %run_scoped3A = tpu.sem_alloc : memref<!tpu.dma_semaphore, #tpu.memory_space<semaphore_mem>>
      %dma_start3A = tpu.memref_slice %arg3[%mul3A_2] : memref<16384xi32, #tpu.memory_space<hbm>> -> memref<512xi32, #tpu.memory_space<hbm>>
      %dma_start3A_14 = tpu.memref_slice %arg3[%mul3A_2] : memref<16384xi32, #tpu.memory_space<hbm>> -> memref<512xi32, #tpu.memory_space<hbm>>
      tpu.enqueue_dma source(%dma_start3A_14 : memref<512xi32, #tpu.memory_space<hbm>>) target(%arg5 : memref<512xi32, #tpu.memory_space<vmem>>) target_semaphore(%run_scoped3A : memref<!tpu.dma_semaphore, #tpu.memory_space<semaphore_mem>>)
      %dma_wait3A = tpu.memref_slice %arg3[%mul3A_2] : memref<16384xi32, #tpu.memory_space<hbm>> -> memref<512xi32, #tpu.memory_space<hbm>>
      %dma_wait3A_15 = tpu.memref_slice %arg3[%mul3A_2] : memref<16384xi32, #tpu.memory_space<hbm>> -> memref<512xi32, #tpu.memory_space<hbm>>
      tpu.wait_dma2 semaphore(%run_scoped3A : memref<!tpu.dma_semaphore, #tpu.memory_space<semaphore_mem>>) src(%dma_wait3A_15 : memref<512xi32, #tpu.memory_space<hbm>>) dst(%arg5 : memref<512xi32, #tpu.memory_space<vmem>>)
      tpu.yield
    }) : () -> ()
    %scan3A = arith.constant 0 : i32
    %scan3A_3 = arith.constant 0 : i32
    %scan3A_4 = arith.constant 32 : i32
    %scan3A_5 = arith.addi %scan3A_3, %scan3A_4 : i32
    %scan3A_6 = arith.constant 1 : i32
    scf.for %scan3A_14 = %scan3A_3 to %scan3A_5 step %scan3A_6  : i32 {
      %mul3A_15 = arith.constant 16 : i32
      %mul3A_16 = arith.muli %scan3A_14, %mul3A_15 : i32
      %get3A = arith.index_cast %mul3A_16 : i32 to index
      %get3A_17 = tpu.vector_load %arg5[%get3A] {strides = array<i32>} : memref<512xi32, #tpu.memory_space<vmem>>, vector<16xi32>,
      %get3A_18 = vector.shape_cast %get3A_17 : vector<16xi32> to vector<16xi32>
      %slice3A = vector.extract_strided_slice %get3A_18 {offsets = [0], sizes = [1], strides = [1]} : vector<16xi32> to vector<1xi32>
      %squeeze3A = vector.extract %slice3A[0] : i32 from vector<1xi32>
      %add3A_19 = arith.constant 0 : i32
      %add3A_20 = arith.addi %mul3A_16, %add3A_19 : i32
      %dma_start3A = arith.constant 0 : i32
      %dma_start3A_21 = tpu.memref_slice %arg6[%add3A_20, %dma_start3A] : memref<512x64xf32, #tpu.memory_space<vmem>> -> memref<1x64xf32, #tpu.memory_space<vmem>>
      %dma_start3A_22 = arith.constant 0 : i32
      %dma_start3A_23 = tpu.memref_slice %arg2[%squeeze3A, %dma_start3A_22] : memref<1000000x64xf32, #tpu.memory_space<hbm>> -> memref<1x64xf32, #tpu.memory_space<hbm>>
      %dma_start3A_24 = arith.constant 0 : i32
      %dma_start3A_25 = tpu.memref_slice %arg6[%add3A_20, %dma_start3A_24] : memref<512x64xf32, #tpu.memory_space<vmem>> -> memref<1x64xf32, #tpu.memory_space<vmem>>
      %dma_start3A_26 = arith.constant 0 : i32
      %dma_start3A_27 = tpu.memref_slice %arg2[%squeeze3A, %dma_start3A_26] : memref<1000000x64xf32, #tpu.memory_space<hbm>> -> memref<1x64xf32, #tpu.memory_space<hbm>>
      tpu.enqueue_dma source(%dma_start3A_27 : memref<1x64xf32, #tpu.memory_space<hbm>>) target(%dma_start3A_25 : memref<1x64xf32, #tpu.memory_space<vmem>>) target_semaphore(%arg7 : memref<!tpu.dma_semaphore, #tpu.memory_space<semaphore_mem>>)
      %slice3A_28 = vector.extract_strided_slice %get3A_18 {offsets = [1], sizes = [1], strides = [1]} : vector<16xi32> to vector<1xi32>
      %squeeze3A_29 = vector.extract %slice3A_28[0] : i32 from vector<1xi32>
      %add3A_30 = arith.constant 1 : i32
      %add3A_31 = arith.addi %mul3A_16, %add3A_30 : i32
      %dma_start3A_32 = arith.constant 0 : i32
      %dma_start3A_33 = tpu.memref_slice %arg6[%add3A_31, %dma_start3A_32] : memref<512x64xf32, #tpu.memory_space<vmem>> -> memref<1x64xf32, #tpu.memory_space<vmem>>
      %dma_start3A_34 = arith.constant 0 : i32
      %dma_start3A_35 = tpu.memref_slice %arg2[%squeeze3A_29, %dma_start3A_34] : memref<1000000x64xf32, #tpu.memory_space<hbm>> -> memref<1x64xf32, #tpu.memory_space<hbm>>
      %dma_start3A_36 = arith.constant 0 : i32
      %dma_start3A_37 = tpu.memref_slice %arg6[%add3A_31, %dma_start3A_36] : memref<512x64xf32, #tpu.memory_space<vmem>> -> memref<1x64xf32, #tpu.memory_space<vmem>>
      %dma_start3A_38 = arith.constant 0 : i32
      %dma_start3A_39 = tpu.memref_slice %arg2[%squeeze3A_29, %dma_start3A_38] : memref<1000000x64xf32, #tpu.memory_space<hbm>> -> memref<1x64xf32, #tpu.memory_space<hbm>>
      tpu.enqueue_dma source(%dma_start3A_39 : memref<1x64xf32, #tpu.memory_space<hbm>>) target(%dma_start3A_37 : memref<1x64xf32, #tpu.memory_space<vmem>>) target_semaphore(%arg7 : memref<!tpu.dma_semaphore, #tpu.memory_space<semaphore_mem>>)
      %slice3A_40 = vector.extract_strided_slice %get3A_18 {offsets = [2], sizes = [1], strides = [1]} : vector<16xi32> to vector<1xi32>
      %squeeze3A_41 = vector.extract %slice3A_40[0] : i32 from vector<1xi32>
      %add3A_42 = arith.constant 2 : i32
      %add3A_43 = arith.addi %mul3A_16, %add3A_42 : i32
      %dma_start3A_44 = arith.constant 0 : i32
      %dma_start3A_45 = tpu.memref_slice %arg6[%add3A_43, %dma_start3A_44] : memref<512x64xf32, #tpu.memory_space<vmem>> -> memref<1x64xf32, #tpu.memory_space<vmem>>
      %dma_start3A_46 = arith.constant 0 : i32
      %dma_start3A_47 = tpu.memref_slice %arg2[%squeeze3A_41, %dma_start3A_46] : memref<1000000x64xf32, #tpu.memory_space<hbm>> -> memref<1x64xf32, #tpu.memory_space<hbm>>
      %dma_start3A_48 = arith.constant 0 : i32
      %dma_start3A_49 = tpu.memref_slice %arg6[%add3A_43, %dma_start3A_48] : memref<512x64xf32, #tpu.memory_space<vmem>> -> memref<1x64xf32, #tpu.memory_space<vmem>>
      %dma_start3A_50 = arith.constant 0 : i32
      %dma_start3A_51 = tpu.memref_slice %arg2[%squeeze3A_41, %dma_start3A_50] : memref<1000000x64xf32, #tpu.memory_space<hbm>> -> memref<1x64xf32, #tpu.memory_space<hbm>>
      tpu.enqueue_dma source(%dma_start3A_51 : memref<1x64xf32, #tpu.memory_space<hbm>>) target(%dma_start3A_49 : memref<1x64xf32, #tpu.memory_space<vmem>>) target_semaphore(%arg7 : memref<!tpu.dma_semaphore, #tpu.memory_space<semaphore_mem>>)
      %slice3A_52 = vector.extract_strided_slice %get3A_18 {offsets = [3], sizes = [1], strides = [1]} : vector<16xi32> to vector<1xi32>
      %squeeze3A_53 = vector.extract %slice3A_52[0] : i32 from vector<1xi32>
      %add3A_54 = arith.constant 3 : i32
      %add3A_55 = arith.addi %mul3A_16, %add3A_54 : i32
      %dma_start3A_56 = arith.constant 0 : i32
      %dma_start3A_57 = tpu.memref_slice %arg6[%add3A_55, %dma_start3A_56] : memref<512x64xf32, #tpu.memory_space<vmem>> -> memref<1x64xf32, #tpu.memory_space<vmem>>
      %dma_start3A_58 = arith.constant 0 : i32
      %dma_start3A_59 = tpu.memref_slice %arg2[%squeeze3A_53, %dma_start3A_58] : memref<1000000x64xf32, #tpu.memory_space<hbm>> -> memref<1x64xf32, #tpu.memory_space<hbm>>
      %dma_start3A_60 = arith.constant 0 : i32
      %dma_start3A_61 = tpu.memref_slice %arg6[%add3A_55, %dma_start3A_60] : memref<512x64xf32, #tpu.memory_space<vmem>> -> memref<1x64xf32, #tpu.memory_space<vmem>>
      %dma_start3A_62 = arith.constant 0 : i32
      %dma_start3A_63 = tpu.memref_slice %arg2[%squeeze3A_53, %dma_start3A_62] : memref<1000000x64xf32, #tpu.memory_space<hbm>> -> memref<1x64xf32, #tpu.memory_space<hbm>>
      tpu.enqueue_dma source(%dma_start3A_63 : memref<1x64xf32, #tpu.memory_space<hbm>>) target(%dma_start3A_61 : memref<1x64xf32, #tpu.memory_space<vmem>>) target_semaphore(%arg7 : memref<!tpu.dma_semaphore, #tpu.memory_space<semaphore_mem>>)
      %slice3A_64 = vector.extract_strided_slice %get3A_18 {offsets = [4], sizes = [1], strides = [1]} : vector<16xi32> to vector<1xi32>
      %squeeze3A_65 = vector.extract %slice3A_64[0] : i32 from vector<1xi32>
      %add3A_66 = arith.constant 4 : i32
      %add3A_67 = arith.addi %mul3A_16, %add3A_66 : i32
      %dma_start3A_68 = arith.constant 0 : i32
      %dma_start3A_69 = tpu.memref_slice %arg6[%add3A_67, %dma_start3A_68] : memref<512x64xf32, #tpu.memory_space<vmem>> -> memref<1x64xf32, #tpu.memory_space<vmem>>
      %dma_start3A_70 = arith.constant 0 : i32
      %dma_start3A_71 = tpu.memref_slice %arg2[%squeeze3A_65, %dma_start3A_70] : memref<1000000x64xf32, #tpu.memory_space<hbm>> -> memref<1x64xf32, #tpu.memory_space<hbm>>
      %dma_start3A_72 = arith.constant 0 : i32
      %dma_start3A_73 = tpu.memref_slice %arg6[%add3A_67, %dma_start3A_72] : memref<512x64xf32, #tpu.memory_space<vmem>> -> memref<1x64xf32, #tpu.memory_space<vmem>>
      %dma_start3A_74 = arith.constant 0 : i32
      %dma_start3A_75 = tpu.memref_slice %arg2[%squeeze3A_65, %dma_start3A_74] : memref<1000000x64xf32, #tpu.memory_space<hbm>> -> memref<1x64xf32, #tpu.memory_space<hbm>>
      tpu.enqueue_dma source(%dma_start3A_75 : memref<1x64xf32, #tpu.memory_space<hbm>>) target(%dma_start3A_73 : memref<1x64xf32, #tpu.memory_space<vmem>>) target_semaphore(%arg7 : memref<!tpu.dma_semaphore, #tpu.memory_space<semaphore_mem>>)
      %slice3A_76 = vector.extract_strided_slice %get3A_18 {offsets = [5], sizes = [1], strides = [1]} : vector<16xi32> to vector<1xi32>
      %squeeze3A_77 = vector.extract %slice3A_76[0] : i32 from vector<1xi32>
      %add3A_78 = arith.constant 5 : i32
      %add3A_79 = arith.addi %mul3A_16, %add3A_78 : i32
      %dma_start3A_80 = arith.constant 0 : i32
      %dma_start3A_81 = tpu.memref_slice %arg6[%add3A_79, %dma_start3A_80] : memref<512x64xf32, #tpu.memory_space<vmem>> -> memref<1x64xf32, #tpu.memory_space<vmem>>
      %dma_start3A_82 = arith.constant 0 : i32
      %dma_start3A_83 = tpu.memref_slice %arg2[%squeeze3A_77, %dma_start3A_82] : memref<1000000x64xf32, #tpu.memory_space<hbm>> -> memref<1x64xf32, #tpu.memory_space<hbm>>
      %dma_start3A_84 = arith.constant 0 : i32
      %dma_start3A_85 = tpu.memref_slice %arg6[%add3A_79, %dma_start3A_84] : memref<512x64xf32, #tpu.memory_space<vmem>> -> memref<1x64xf32, #tpu.memory_space<vmem>>
      %dma_start3A_86 = arith.constant 0 : i32
      %dma_start3A_87 = tpu.memref_slice %arg2[%squeeze3A_77, %dma_start3A_86] : memref<1000000x64xf32, #tpu.memory_space<hbm>> -> memref<1x64xf32, #tpu.memory_space<hbm>>
      tpu.enqueue_dma source(%dma_start3A_87 : memref<1x64xf32, #tpu.memory_space<hbm>>) target(%dma_start3A_85 : memref<1x64xf32, #tpu.memory_space<vmem>>) target_semaphore(%arg7 : memref<!tpu.dma_semaphore, #tpu.memory_space<semaphore_mem>>)
      %slice3A_88 = vector.extract_strided_slice %get3A_18 {offsets = [6], sizes = [1], strides = [1]} : vector<16xi32> to vector<1xi32>
      %squeeze3A_89 = vector.extract %slice3A_88[0] : i32 from vector<1xi32>
      %add3A_90 = arith.constant 6 : i32
      %add3A_91 = arith.addi %mul3A_16, %add3A_90 : i32
      %dma_start3A_92 = arith.constant 0 : i32
      %dma_start3A_93 = tpu.memref_slice %arg6[%add3A_91, %dma_start3A_92] : memref<512x64xf32, #tpu.memory_space<vmem>> -> memref<1x64xf32, #tpu.memory_space<vmem>>
      %dma_start3A_94 = arith.constant 0 : i32
      %dma_start3A_95 = tpu.memref_slice %arg2[%squeeze3A_89, %dma_start3A_94] : memref<1000000x64xf32, #tpu.memory_space<hbm>> -> memref<1x64xf32, #tpu.memory_space<hbm>>
      %dma_start3A_96 = arith.constant 0 : i32
      %dma_start3A_97 = tpu.memref_slice %arg6[%add3A_91, %dma_start3A_96] : memref<512x64xf32, #tpu.memory_space<vmem>> -> memref<1x64xf32, #tpu.memory_space<vmem>>
      %dma_start3A_98 = arith.constant 0 : i32
      %dma_start3A_99 = tpu.memref_slice %arg2[%squeeze3A_89, %dma_start3A_98] : memref<1000000x64xf32, #tpu.memory_space<hbm>> -> memref<1x64xf32, #tpu.memory_space<hbm>>
      tpu.enqueue_dma source(%dma_start3A_99 : memref<1x64xf32, #tpu.memory_space<hbm>>) target(%dma_start3A_97 : memref<1x64xf32, #tpu.memory_space<vmem>>) target_semaphore(%arg7 : memref<!tpu.dma_semaphore, #tpu.memory_space<semaphore_mem>>)
      %slice3A_100 = vector.extract_strided_slice %get3A_18 {offsets = [7], sizes = [1], strides = [1]} : vector<16xi32> to vector<1xi32>
      %squeeze3A_101 = vector.extract %slice3A_100[0] : i32 from vector<1xi32>
      %add3A_102 = arith.constant 7 : i32
      %add3A_103 = arith.addi %mul3A_16, %add3A_102 : i32
      %dma_start3A_104 = arith.constant 0 : i32
      %dma_start3A_105 = tpu.memref_slice %arg6[%add3A_103, %dma_start3A_104] : memref<512x64xf32, #tpu.memory_space<vmem>> -> memref<1x64xf32, #tpu.memory_space<vmem>>
      %dma_start3A_106 = arith.constant 0 : i32
      %dma_start3A_107 = tpu.memref_slice %arg2[%squeeze3A_101, %dma_start3A_106] : memref<1000000x64xf32, #tpu.memory_space<hbm>> -> memref<1x64xf32, #tpu.memory_space<hbm>>
      %dma_start3A_108 = arith.constant 0 : i32
      %dma_start3A_109 = tpu.memref_slice %arg6[%add3A_103, %dma_start3A_108] : memref<512x64xf32, #tpu.memory_space<vmem>> -> memref<1x64xf32, #tpu.memory_space<vmem>>
      %dma_start3A_110 = arith.constant 0 : i32
      %dma_start3A_111 = tpu.memref_slice %arg2[%squeeze3A_101, %dma_start3A_110] : memref<1000000x64xf32, #tpu.memory_space<hbm>> -> memref<1x64xf32, #tpu.memory_space<hbm>>
      tpu.enqueue_dma source(%dma_start3A_111 : memref<1x64xf32, #tpu.memory_space<hbm>>) target(%dma_start3A_109 : memref<1x64xf32, #tpu.memory_space<vmem>>) target_semaphore(%arg7 : memref<!tpu.dma_semaphore, #tpu.memory_space<semaphore_mem>>)
      %slice3A_112 = vector.extract_strided_slice %get3A_18 {offsets = [8], sizes = [1], strides = [1]} : vector<16xi32> to vector<1xi32>
      %squeeze3A_113 = vector.extract %slice3A_112[0] : i32 from vector<1xi32>
      %add3A_114 = arith.constant 8 : i32
      %add3A_115 = arith.addi %mul3A_16, %add3A_114 : i32
      %dma_start3A_116 = arith.constant 0 : i32
      %dma_start3A_117 = tpu.memref_slice %arg6[%add3A_115, %dma_start3A_116] : memref<512x64xf32, #tpu.memory_space<vmem>> -> memref<1x64xf32, #tpu.memory_space<vmem>>
      %dma_start3A_118 = arith.constant 0 : i32
      %dma_start3A_119 = tpu.memref_slice %arg2[%squeeze3A_113, %dma_start3A_118] : memref<1000000x64xf32, #tpu.memory_space<hbm>> -> memref<1x64xf32, #tpu.memory_space<hbm>>
      %dma_start3A_120 = arith.constant 0 : i32
      %dma_start3A_121 = tpu.memref_slice %arg6[%add3A_115, %dma_start3A_120] : memref<512x64xf32, #tpu.memory_space<vmem>> -> memref<1x64xf32, #tpu.memory_space<vmem>>
      %dma_start3A_122 = arith.constant 0 : i32
      %dma_start3A_123 = tpu.memref_slice %arg2[%squeeze3A_113, %dma_start3A_122] : memref<1000000x64xf32, #tpu.memory_space<hbm>> -> memref<1x64xf32, #tpu.memory_space<hbm>>
      tpu.enqueue_dma source(%dma_start3A_123 : memref<1x64xf32, #tpu.memory_space<hbm>>) target(%dma_start3A_121 : memref<1x64xf32, #tpu.memory_space<vmem>>) target_semaphore(%arg7 : memref<!tpu.dma_semaphore, #tpu.memory_space<semaphore_mem>>)
      %slice3A_124 = vector.extract_strided_slice %get3A_18 {offsets = [9], sizes = [1], strides = [1]} : vector<16xi32> to vector<1xi32>
      %squeeze3A_125 = vector.extract %slice3A_124[0] : i32 from vector<1xi32>
      %add3A_126 = arith.constant 9 : i32
      %add3A_127 = arith.addi %mul3A_16, %add3A_126 : i32
      %dma_start3A_128 = arith.constant 0 : i32
      %dma_start3A_129 = tpu.memref_slice %arg6[%add3A_127, %dma_start3A_128] : memref<512x64xf32, #tpu.memory_space<vmem>> -> memref<1x64xf32, #tpu.memory_space<vmem>>
      %dma_start3A_130 = arith.constant 0 : i32
      %dma_start3A_131 = tpu.memref_slice %arg2[%squeeze3A_125, %dma_start3A_130] : memref<1000000x64xf32, #tpu.memory_space<hbm>> -> memref<1x64xf32, #tpu.memory_space<hbm>>
      %dma_start3A_132 = arith.constant 0 : i32
      %dma_start3A_133 = tpu.memref_slice %arg6[%add3A_127, %dma_start3A_132] : memref<512x64xf32, #tpu.memory_space<vmem>> -> memref<1x64xf32, #tpu.memory_space<vmem>>
      %dma_start3A_134 = arith.constant 0 : i32
      %dma_start3A_135 = tpu.memref_slice %arg2[%squeeze3A_125, %dma_start3A_134] : memref<1000000x64xf32, #tpu.memory_space<hbm>> -> memref<1x64xf32, #tpu.memory_space<hbm>>
      tpu.enqueue_dma source(%dma_start3A_135 : memref<1x64xf32, #tpu.memory_space<hbm>>) target(%dma_start3A_133 : memref<1x64xf32, #tpu.memory_space<vmem>>) target_semaphore(%arg7 : memref<!tpu.dma_semaphore, #tpu.memory_space<semaphore_mem>>)
      %slice3A_136 = vector.extract_strided_slice %get3A_18 {offsets = [10], sizes = [1], strides = [1]} : vector<16xi32> to vector<1xi32>
      %squeeze3A_137 = vector.extract %slice3A_136[0] : i32 from vector<1xi32>
      %add3A_138 = arith.constant 10 : i32
      %add3A_139 = arith.addi %mul3A_16, %add3A_138 : i32
      %dma_start3A_140 = arith.constant 0 : i32
      %dma_start3A_141 = tpu.memref_slice %arg6[%add3A_139, %dma_start3A_140] : memref<512x64xf32, #tpu.memory_space<vmem>> -> memref<1x64xf32, #tpu.memory_space<vmem>>
      %dma_start3A_142 = arith.constant 0 : i32
      %dma_start3A_143 = tpu.memref_slice %arg2[%squeeze3A_137, %dma_start3A_142] : memref<1000000x64xf32, #tpu.memory_space<hbm>> -> memref<1x64xf32, #tpu.memory_space<hbm>>
      %dma_start3A_144 = arith.constant 0 : i32
      %dma_start3A_145 = tpu.memref_slice %arg6[%add3A_139, %dma_start3A_144] : memref<512x64xf32, #tpu.memory_space<vmem>> -> memref<1x64xf32, #tpu.memory_space<vmem>>
      %dma_start3A_146 = arith.constant 0 : i32
      %dma_start3A_147 = tpu.memref_slice %arg2[%squeeze3A_137, %dma_start3A_146] : memref<1000000x64xf32, #tpu.memory_space<hbm>> -> memref<1x64xf32, #tpu.memory_space<hbm>>
      tpu.enqueue_dma source(%dma_start3A_147 : memref<1x64xf32, #tpu.memory_space<hbm>>) target(%dma_start3A_145 : memref<1x64xf32, #tpu.memory_space<vmem>>) target_semaphore(%arg7 : memref<!tpu.dma_semaphore, #tpu.memory_space<semaphore_mem>>)
      %slice3A_148 = vector.extract_strided_slice %get3A_18 {offsets = [11], sizes = [1], strides = [1]} : vector<16xi32> to vector<1xi32>
      %squeeze3A_149 = vector.extract %slice3A_148[0] : i32 from vector<1xi32>
      %add3A_150 = arith.constant 11 : i32
      %add3A_151 = arith.addi %mul3A_16, %add3A_150 : i32
      %dma_start3A_152 = arith.constant 0 : i32
      %dma_start3A_153 = tpu.memref_slice %arg6[%add3A_151, %dma_start3A_152] : memref<512x64xf32, #tpu.memory_space<vmem>> -> memref<1x64xf32, #tpu.memory_space<vmem>>
      %dma_start3A_154 = arith.constant 0 : i32
      %dma_start3A_155 = tpu.memref_slice %arg2[%squeeze3A_149, %dma_start3A_154] : memref<1000000x64xf32, #tpu.memory_space<hbm>> -> memref<1x64xf32, #tpu.memory_space<hbm>>
      %dma_start3A_156 = arith.constant 0 : i32
      %dma_start3A_157 = tpu.memref_slice %arg6[%add3A_151, %dma_start3A_156] : memref<512x64xf32, #tpu.memory_space<vmem>> -> memref<1x64xf32, #tpu.memory_space<vmem>>
      %dma_start3A_158 = arith.constant 0 : i32
      %dma_start3A_159 = tpu.memref_slice %arg2[%squeeze3A_149, %dma_start3A_158] : memref<1000000x64xf32, #tpu.memory_space<hbm>> -> memref<1x64xf32, #tpu.memory_space<hbm>>
      tpu.enqueue_dma source(%dma_start3A_159 : memref<1x64xf32, #tpu.memory_space<hbm>>) target(%dma_start3A_157 : memref<1x64xf32, #tpu.memory_space<vmem>>) target_semaphore(%arg7 : memref<!tpu.dma_semaphore, #tpu.memory_space<semaphore_mem>>)
      %slice3A_160 = vector.extract_strided_slice %get3A_18 {offsets = [12], sizes = [1], strides = [1]} : vector<16xi32> to vector<1xi32>
      %squeeze3A_161 = vector.extract %slice3A_160[0] : i32 from vector<1xi32>
      %add3A_162 = arith.constant 12 : i32
      %add3A_163 = arith.addi %mul3A_16, %add3A_162 : i32
      %dma_start3A_164 = arith.constant 0 : i32
      %dma_start3A_165 = tpu.memref_slice %arg6[%add3A_163, %dma_start3A_164] : memref<512x64xf32, #tpu.memory_space<vmem>> -> memref<1x64xf32, #tpu.memory_space<vmem>>
      %dma_start3A_166 = arith.constant 0 : i32
      %dma_start3A_167 = tpu.memref_slice %arg2[%squeeze3A_161, %dma_start3A_166] : memref<1000000x64xf32, #tpu.memory_space<hbm>> -> memref<1x64xf32, #tpu.memory_space<hbm>>
      %dma_start3A_168 = arith.constant 0 : i32
      %dma_start3A_169 = tpu.memref_slice %arg6[%add3A_163, %dma_start3A_168] : memref<512x64xf32, #tpu.memory_space<vmem>> -> memref<1x64xf32, #tpu.memory_space<vmem>>
      %dma_start3A_170 = arith.constant 0 : i32
      %dma_start3A_171 = tpu.memref_slice %arg2[%squeeze3A_161, %dma_start3A_170] : memref<1000000x64xf32, #tpu.memory_space<hbm>> -> memref<1x64xf32, #tpu.memory_space<hbm>>
      tpu.enqueue_dma source(%dma_start3A_171 : memref<1x64xf32, #tpu.memory_space<hbm>>) target(%dma_start3A_169 : memref<1x64xf32, #tpu.memory_space<vmem>>) target_semaphore(%arg7 : memref<!tpu.dma_semaphore, #tpu.memory_space<semaphore_mem>>)
      %slice3A_172 = vector.extract_strided_slice %get3A_18 {offsets = [13], sizes = [1], strides = [1]} : vector<16xi32> to vector<1xi32>
      %squeeze3A_173 = vector.extract %slice3A_172[0] : i32 from vector<1xi32>
      %add3A_174 = arith.constant 13 : i32
      %add3A_175 = arith.addi %mul3A_16, %add3A_174 : i32
      %dma_start3A_176 = arith.constant 0 : i32
      %dma_start3A_177 = tpu.memref_slice %arg6[%add3A_175, %dma_start3A_176] : memref<512x64xf32, #tpu.memory_space<vmem>> -> memref<1x64xf32, #tpu.memory_space<vmem>>
      %dma_start3A_178 = arith.constant 0 : i32
      %dma_start3A_179 = tpu.memref_slice %arg2[%squeeze3A_173, %dma_start3A_178] : memref<1000000x64xf32, #tpu.memory_space<hbm>> -> memref<1x64xf32, #tpu.memory_space<hbm>>
      %dma_start3A_180 = arith.constant 0 : i32
      %dma_start3A_181 = tpu.memref_slice %arg6[%add3A_175, %dma_start3A_180] : memref<512x64xf32, #tpu.memory_space<vmem>> -> memref<1x64xf32, #tpu.memory_space<vmem>>
      %dma_start3A_182 = arith.constant 0 : i32
      %dma_start3A_183 = tpu.memref_slice %arg2[%squeeze3A_173, %dma_start3A_182] : memref<1000000x64xf32, #tpu.memory_space<hbm>> -> memref<1x64xf32, #tpu.memory_space<hbm>>
      tpu.enqueue_dma source(%dma_start3A_183 : memref<1x64xf32, #tpu.memory_space<hbm>>) target(%dma_start3A_181 : memref<1x64xf32, #tpu.memory_space<vmem>>) target_semaphore(%arg7 : memref<!tpu.dma_semaphore, #tpu.memory_space<semaphore_mem>>)
      %slice3A_184 = vector.extract_strided_slice %get3A_18 {offsets = [14], sizes = [1], strides = [1]} : vector<16xi32> to vector<1xi32>
      %squeeze3A_185 = vector.extract %slice3A_184[0] : i32 from vector<1xi32>
      %add3A_186 = arith.constant 14 : i32
      %add3A_187 = arith.addi %mul3A_16, %add3A_186 : i32
      %dma_start3A_188 = arith.constant 0 : i32
      %dma_start3A_189 = tpu.memref_slice %arg6[%add3A_187, %dma_start3A_188] : memref<512x64xf32, #tpu.memory_space<vmem>> -> memref<1x64xf32, #tpu.memory_space<vmem>>
      %dma_start3A_190 = arith.constant 0 : i32
      %dma_start3A_191 = tpu.memref_slice %arg2[%squeeze3A_185, %dma_start3A_190] : memref<1000000x64xf32, #tpu.memory_space<hbm>> -> memref<1x64xf32, #tpu.memory_space<hbm>>
      %dma_start3A_192 = arith.constant 0 : i32
      %dma_start3A_193 = tpu.memref_slice %arg6[%add3A_187, %dma_start3A_192] : memref<512x64xf32, #tpu.memory_space<vmem>> -> memref<1x64xf32, #tpu.memory_space<vmem>>
      %dma_start3A_194 = arith.constant 0 : i32
      %dma_start3A_195 = tpu.memref_slice %arg2[%squeeze3A_185, %dma_start3A_194] : memref<1000000x64xf32, #tpu.memory_space<hbm>> -> memref<1x64xf32, #tpu.memory_space<hbm>>
      tpu.enqueue_dma source(%dma_start3A_195 : memref<1x64xf32, #tpu.memory_space<hbm>>) target(%dma_start3A_193 : memref<1x64xf32, #tpu.memory_space<vmem>>) target_semaphore(%arg7 : memref<!tpu.dma_semaphore, #tpu.memory_space<semaphore_mem>>)
      %slice3A_196 = vector.extract_strided_slice %get3A_18 {offsets = [15], sizes = [1], strides = [1]} : vector<16xi32> to vector<1xi32>
      %squeeze3A_197 = vector.extract %slice3A_196[0] : i32 from vector<1xi32>
      %add3A_198 = arith.constant 15 : i32
      %add3A_199 = arith.addi %mul3A_16, %add3A_198 : i32
      %dma_start3A_200 = arith.constant 0 : i32
      %dma_start3A_201 = tpu.memref_slice %arg6[%add3A_199, %dma_start3A_200] : memref<512x64xf32, #tpu.memory_space<vmem>> -> memref<1x64xf32, #tpu.memory_space<vmem>>
      %dma_start3A_202 = arith.constant 0 : i32
      %dma_start3A_203 = tpu.memref_slice %arg2[%squeeze3A_197, %dma_start3A_202] : memref<1000000x64xf32, #tpu.memory_space<hbm>> -> memref<1x64xf32, #tpu.memory_space<hbm>>
      %dma_start3A_204 = arith.constant 0 : i32
      %dma_start3A_205 = tpu.memref_slice %arg6[%add3A_199, %dma_start3A_204] : memref<512x64xf32, #tpu.memory_space<vmem>> -> memref<1x64xf32, #tpu.memory_space<vmem>>
      %dma_start3A_206 = arith.constant 0 : i32
      %dma_start3A_207 = tpu.memref_slice %arg2[%squeeze3A_197, %dma_start3A_206] : memref<1000000x64xf32, #tpu.memory_space<hbm>> -> memref<1x64xf32, #tpu.memory_space<hbm>>
      tpu.enqueue_dma source(%dma_start3A_207 : memref<1x64xf32, #tpu.memory_space<hbm>>) target(%dma_start3A_205 : memref<1x64xf32, #tpu.memory_space<vmem>>) target_semaphore(%arg7 : memref<!tpu.dma_semaphore, #tpu.memory_space<semaphore_mem>>)
    }
    %scan3A_7 = arith.constant 32 : i32
    %scan3A_8 = arith.constant 0 : i32
    %scan3A_9 = arith.constant 0 : i32
    %scan3A_10 = arith.constant 32 : i32
    %scan3A_11 = arith.addi %scan3A_9, %scan3A_10 : i32
    %scan3A_12 = arith.constant 1 : i32
    scf.for %scan3A_14 = %scan3A_9 to %scan3A_11 step %scan3A_12  : i32 {
      %mul3A_15 = arith.constant 16 : i32
      %mul3A_16 = arith.muli %scan3A_14, %mul3A_15 : i32
      %add3A_17 = arith.constant 0 : i32
      %add3A_18 = arith.addi %mul3A_16, %add3A_17 : i32
      %dma_wait3A = arith.constant 0 : i32
      %dma_wait3A_19 = tpu.memref_slice %arg6[%add3A_18, %dma_wait3A] : memref<512x64xf32, #tpu.memory_space<vmem>> -> memref<1x64xf32, #tpu.memory_space<vmem>>
      %dma_wait3A_20 = arith.constant 0 : i32
      %dma_wait3A_21 = arith.constant 0 : i32
      %dma_wait3A_22 = tpu.memref_slice %arg2[%dma_wait3A_20, %dma_wait3A_21] : memref<1000000x64xf32, #tpu.memory_space<hbm>> -> memref<1x64xf32, #tpu.memory_space<hbm>>
      %dma_wait3A_23 = arith.constant 0 : i32
      %dma_wait3A_24 = tpu.memref_slice %arg6[%add3A_18, %dma_wait3A_23] : memref<512x64xf32, #tpu.memory_space<vmem>> -> memref<1x64xf32, #tpu.memory_space<vmem>>
      %dma_wait3A_25 = arith.constant 0 : i32
      %dma_wait3A_26 = arith.constant 0 : i32
      %dma_wait3A_27 = tpu.memref_slice %arg2[%dma_wait3A_25, %dma_wait3A_26] : memref<1000000x64xf32, #tpu.memory_space<hbm>> -> memref<1x64xf32, #tpu.memory_space<hbm>>
      tpu.wait_dma2 semaphore(%arg7 : memref<!tpu.dma_semaphore, #tpu.memory_space<semaphore_mem>>) src(%dma_wait3A_27 : memref<1x64xf32, #tpu.memory_space<hbm>>) dst(%dma_wait3A_24 : memref<1x64xf32, #tpu.memory_space<vmem>>)
      %add3A_28 = arith.constant 1 : i32
      %add3A_29 = arith.addi %mul3A_16, %add3A_28 : i32
      %dma_wait3A_30 = arith.constant 0 : i32
      %dma_wait3A_31 = tpu.memref_slice %arg6[%add3A_29, %dma_wait3A_30] : memref<512x64xf32, #tpu.memory_space<vmem>> -> memref<1x64xf32, #tpu.memory_space<vmem>>
      %dma_wait3A_32 = arith.constant 0 : i32
      %dma_wait3A_33 = arith.constant 0 : i32
      %dma_wait3A_34 = tpu.memref_slice %arg2[%dma_wait3A_32, %dma_wait3A_33] : memref<1000000x64xf32, #tpu.memory_space<hbm>> -> memref<1x64xf32, #tpu.memory_space<hbm>>
      %dma_wait3A_35 = arith.constant 0 : i32
      %dma_wait3A_36 = tpu.memref_slice %arg6[%add3A_29, %dma_wait3A_35] : memref<512x64xf32, #tpu.memory_space<vmem>> -> memref<1x64xf32, #tpu.memory_space<vmem>>
      %dma_wait3A_37 = arith.constant 0 : i32
      %dma_wait3A_38 = arith.constant 0 : i32
      %dma_wait3A_39 = tpu.memref_slice %arg2[%dma_wait3A_37, %dma_wait3A_38] : memref<1000000x64xf32, #tpu.memory_space<hbm>> -> memref<1x64xf32, #tpu.memory_space<hbm>>
      tpu.wait_dma2 semaphore(%arg7 : memref<!tpu.dma_semaphore, #tpu.memory_space<semaphore_mem>>) src(%dma_wait3A_39 : memref<1x64xf32, #tpu.memory_space<hbm>>) dst(%dma_wait3A_36 : memref<1x64xf32, #tpu.memory_space<vmem>>)
      %add3A_40 = arith.constant 2 : i32
      %add3A_41 = arith.addi %mul3A_16, %add3A_40 : i32
      %dma_wait3A_42 = arith.constant 0 : i32
      %dma_wait3A_43 = tpu.memref_slice %arg6[%add3A_41, %dma_wait3A_42] : memref<512x64xf32, #tpu.memory_space<vmem>> -> memref<1x64xf32, #tpu.memory_space<vmem>>
      %dma_wait3A_44 = arith.constant 0 : i32
      %dma_wait3A_45 = arith.constant 0 : i32
      %dma_wait3A_46 = tpu.memref_slice %arg2[%dma_wait3A_44, %dma_wait3A_45] : memref<1000000x64xf32, #tpu.memory_space<hbm>> -> memref<1x64xf32, #tpu.memory_space<hbm>>
      %dma_wait3A_47 = arith.constant 0 : i32
      %dma_wait3A_48 = tpu.memref_slice %arg6[%add3A_41, %dma_wait3A_47] : memref<512x64xf32, #tpu.memory_space<vmem>> -> memref<1x64xf32, #tpu.memory_space<vmem>>
      %dma_wait3A_49 = arith.constant 0 : i32
      %dma_wait3A_50 = arith.constant 0 : i32
      %dma_wait3A_51 = tpu.memref_slice %arg2[%dma_wait3A_49, %dma_wait3A_50] : memref<1000000x64xf32, #tpu.memory_space<hbm>> -> memref<1x64xf32, #tpu.memory_space<hbm>>
      tpu.wait_dma2 semaphore(%arg7 : memref<!tpu.dma_semaphore, #tpu.memory_space<semaphore_mem>>) src(%dma_wait3A_51 : memref<1x64xf32, #tpu.memory_space<hbm>>) dst(%dma_wait3A_48 : memref<1x64xf32, #tpu.memory_space<vmem>>)
      %add3A_52 = arith.constant 3 : i32
      %add3A_53 = arith.addi %mul3A_16, %add3A_52 : i32
      %dma_wait3A_54 = arith.constant 0 : i32
      %dma_wait3A_55 = tpu.memref_slice %arg6[%add3A_53, %dma_wait3A_54] : memref<512x64xf32, #tpu.memory_space<vmem>> -> memref<1x64xf32, #tpu.memory_space<vmem>>
      %dma_wait3A_56 = arith.constant 0 : i32
      %dma_wait3A_57 = arith.constant 0 : i32
      %dma_wait3A_58 = tpu.memref_slice %arg2[%dma_wait3A_56, %dma_wait3A_57] : memref<1000000x64xf32, #tpu.memory_space<hbm>> -> memref<1x64xf32, #tpu.memory_space<hbm>>
      %dma_wait3A_59 = arith.constant 0 : i32
      %dma_wait3A_60 = tpu.memref_slice %arg6[%add3A_53, %dma_wait3A_59] : memref<512x64xf32, #tpu.memory_space<vmem>> -> memref<1x64xf32, #tpu.memory_space<vmem>>
      %dma_wait3A_61 = arith.constant 0 : i32
      %dma_wait3A_62 = arith.constant 0 : i32
      %dma_wait3A_63 = tpu.memref_slice %arg2[%dma_wait3A_61, %dma_wait3A_62] : memref<1000000x64xf32, #tpu.memory_space<hbm>> -> memref<1x64xf32, #tpu.memory_space<hbm>>
      tpu.wait_dma2 semaphore(%arg7 : memref<!tpu.dma_semaphore, #tpu.memory_space<semaphore_mem>>) src(%dma_wait3A_63 : memref<1x64xf32, #tpu.memory_space<hbm>>) dst(%dma_wait3A_60 : memref<1x64xf32, #tpu.memory_space<vmem>>)
      %add3A_64 = arith.constant 4 : i32
      %add3A_65 = arith.addi %mul3A_16, %add3A_64 : i32
      %dma_wait3A_66 = arith.constant 0 : i32
      %dma_wait3A_67 = tpu.memref_slice %arg6[%add3A_65, %dma_wait3A_66] : memref<512x64xf32, #tpu.memory_space<vmem>> -> memref<1x64xf32, #tpu.memory_space<vmem>>
      %dma_wait3A_68 = arith.constant 0 : i32
      %dma_wait3A_69 = arith.constant 0 : i32
      %dma_wait3A_70 = tpu.memref_slice %arg2[%dma_wait3A_68, %dma_wait3A_69] : memref<1000000x64xf32, #tpu.memory_space<hbm>> -> memref<1x64xf32, #tpu.memory_space<hbm>>
      %dma_wait3A_71 = arith.constant 0 : i32
      %dma_wait3A_72 = tpu.memref_slice %arg6[%add3A_65, %dma_wait3A_71] : memref<512x64xf32, #tpu.memory_space<vmem>> -> memref<1x64xf32, #tpu.memory_space<vmem>>
      %dma_wait3A_73 = arith.constant 0 : i32
      %dma_wait3A_74 = arith.constant 0 : i32
      %dma_wait3A_75 = tpu.memref_slice %arg2[%dma_wait3A_73, %dma_wait3A_74] : memref<1000000x64xf32, #tpu.memory_space<hbm>> -> memref<1x64xf32, #tpu.memory_space<hbm>>
      tpu.wait_dma2 semaphore(%arg7 : memref<!tpu.dma_semaphore, #tpu.memory_space<semaphore_mem>>) src(%dma_wait3A_75 : memref<1x64xf32, #tpu.memory_space<hbm>>) dst(%dma_wait3A_72 : memref<1x64xf32, #tpu.memory_space<vmem>>)
      %add3A_76 = arith.constant 5 : i32
      %add3A_77 = arith.addi %mul3A_16, %add3A_76 : i32
      %dma_wait3A_78 = arith.constant 0 : i32
      %dma_wait3A_79 = tpu.memref_slice %arg6[%add3A_77, %dma_wait3A_78] : memref<512x64xf32, #tpu.memory_space<vmem>> -> memref<1x64xf32, #tpu.memory_space<vmem>>
      %dma_wait3A_80 = arith.constant 0 : i32
      %dma_wait3A_81 = arith.constant 0 : i32
      %dma_wait3A_82 = tpu.memref_slice %arg2[%dma_wait3A_80, %dma_wait3A_81] : memref<1000000x64xf32, #tpu.memory_space<hbm>> -> memref<1x64xf32, #tpu.memory_space<hbm>>
      %dma_wait3A_83 = arith.constant 0 : i32
      %dma_wait3A_84 = tpu.memref_slice %arg6[%add3A_77, %dma_wait3A_83] : memref<512x64xf32, #tpu.memory_space<vmem>> -> memref<1x64xf32, #tpu.memory_space<vmem>>
      %dma_wait3A_85 = arith.constant 0 : i32
      %dma_wait3A_86 = arith.constant 0 : i32
      %dma_wait3A_87 = tpu.memref_slice %arg2[%dma_wait3A_85, %dma_wait3A_86] : memref<1000000x64xf32, #tpu.memory_space<hbm>> -> memref<1x64xf32, #tpu.memory_space<hbm>>
      tpu.wait_dma2 semaphore(%arg7 : memref<!tpu.dma_semaphore, #tpu.memory_space<semaphore_mem>>) src(%dma_wait3A_87 : memref<1x64xf32, #tpu.memory_space<hbm>>) dst(%dma_wait3A_84 : memref<1x64xf32, #tpu.memory_space<vmem>>)
      %add3A_88 = arith.constant 6 : i32
      %add3A_89 = arith.addi %mul3A_16, %add3A_88 : i32
      %dma_wait3A_90 = arith.constant 0 : i32
      %dma_wait3A_91 = tpu.memref_slice %arg6[%add3A_89, %dma_wait3A_90] : memref<512x64xf32, #tpu.memory_space<vmem>> -> memref<1x64xf32, #tpu.memory_space<vmem>>
      %dma_wait3A_92 = arith.constant 0 : i32
      %dma_wait3A_93 = arith.constant 0 : i32
      %dma_wait3A_94 = tpu.memref_slice %arg2[%dma_wait3A_92, %dma_wait3A_93] : memref<1000000x64xf32, #tpu.memory_space<hbm>> -> memref<1x64xf32, #tpu.memory_space<hbm>>
      %dma_wait3A_95 = arith.constant 0 : i32
      %dma_wait3A_96 = tpu.memref_slice %arg6[%add3A_89, %dma_wait3A_95] : memref<512x64xf32, #tpu.memory_space<vmem>> -> memref<1x64xf32, #tpu.memory_space<vmem>>
      %dma_wait3A_97 = arith.constant 0 : i32
      %dma_wait3A_98 = arith.constant 0 : i32
      %dma_wait3A_99 = tpu.memref_slice %arg2[%dma_wait3A_97, %dma_wait3A_98] : memref<1000000x64xf32, #tpu.memory_space<hbm>> -> memref<1x64xf32, #tpu.memory_space<hbm>>
      tpu.wait_dma2 semaphore(%arg7 : memref<!tpu.dma_semaphore, #tpu.memory_space<semaphore_mem>>) src(%dma_wait3A_99 : memref<1x64xf32, #tpu.memory_space<hbm>>) dst(%dma_wait3A_96 : memref<1x64xf32, #tpu.memory_space<vmem>>)
      %add3A_100 = arith.constant 7 : i32
      %add3A_101 = arith.addi %mul3A_16, %add3A_100 : i32
      %dma_wait3A_102 = arith.constant 0 : i32
      %dma_wait3A_103 = tpu.memref_slice %arg6[%add3A_101, %dma_wait3A_102] : memref<512x64xf32, #tpu.memory_space<vmem>> -> memref<1x64xf32, #tpu.memory_space<vmem>>
      %dma_wait3A_104 = arith.constant 0 : i32
      %dma_wait3A_105 = arith.constant 0 : i32
      %dma_wait3A_106 = tpu.memref_slice %arg2[%dma_wait3A_104, %dma_wait3A_105] : memref<1000000x64xf32, #tpu.memory_space<hbm>> -> memref<1x64xf32, #tpu.memory_space<hbm>>
      %dma_wait3A_107 = arith.constant 0 : i32
      %dma_wait3A_108 = tpu.memref_slice %arg6[%add3A_101, %dma_wait3A_107] : memref<512x64xf32, #tpu.memory_space<vmem>> -> memref<1x64xf32, #tpu.memory_space<vmem>>
      %dma_wait3A_109 = arith.constant 0 : i32
      %dma_wait3A_110 = arith.constant 0 : i32
      %dma_wait3A_111 = tpu.memref_slice %arg2[%dma_wait3A_109, %dma_wait3A_110] : memref<1000000x64xf32, #tpu.memory_space<hbm>> -> memref<1x64xf32, #tpu.memory_space<hbm>>
      tpu.wait_dma2 semaphore(%arg7 : memref<!tpu.dma_semaphore, #tpu.memory_space<semaphore_mem>>) src(%dma_wait3A_111 : memref<1x64xf32, #tpu.memory_space<hbm>>) dst(%dma_wait3A_108 : memref<1x64xf32, #tpu.memory_space<vmem>>)
      %add3A_112 = arith.constant 8 : i32
      %add3A_113 = arith.addi %mul3A_16, %add3A_112 : i32
      %dma_wait3A_114 = arith.constant 0 : i32
      %dma_wait3A_115 = tpu.memref_slice %arg6[%add3A_113, %dma_wait3A_114] : memref<512x64xf32, #tpu.memory_space<vmem>> -> memref<1x64xf32, #tpu.memory_space<vmem>>
      %dma_wait3A_116 = arith.constant 0 : i32
      %dma_wait3A_117 = arith.constant 0 : i32
      %dma_wait3A_118 = tpu.memref_slice %arg2[%dma_wait3A_116, %dma_wait3A_117] : memref<1000000x64xf32, #tpu.memory_space<hbm>> -> memref<1x64xf32, #tpu.memory_space<hbm>>
      %dma_wait3A_119 = arith.constant 0 : i32
      %dma_wait3A_120 = tpu.memref_slice %arg6[%add3A_113, %dma_wait3A_119] : memref<512x64xf32, #tpu.memory_space<vmem>> -> memref<1x64xf32, #tpu.memory_space<vmem>>
      %dma_wait3A_121 = arith.constant 0 : i32
      %dma_wait3A_122 = arith.constant 0 : i32
      %dma_wait3A_123 = tpu.memref_slice %arg2[%dma_wait3A_121, %dma_wait3A_122] : memref<1000000x64xf32, #tpu.memory_space<hbm>> -> memref<1x64xf32, #tpu.memory_space<hbm>>
      tpu.wait_dma2 semaphore(%arg7 : memref<!tpu.dma_semaphore, #tpu.memory_space<semaphore_mem>>) src(%dma_wait3A_123 : memref<1x64xf32, #tpu.memory_space<hbm>>) dst(%dma_wait3A_120 : memref<1x64xf32, #tpu.memory_space<vmem>>)
      %add3A_124 = arith.constant 9 : i32
      %add3A_125 = arith.addi %mul3A_16, %add3A_124 : i32
      %dma_wait3A_126 = arith.constant 0 : i32
      %dma_wait3A_127 = tpu.memref_slice %arg6[%add3A_125, %dma_wait3A_126] : memref<512x64xf32, #tpu.memory_space<vmem>> -> memref<1x64xf32, #tpu.memory_space<vmem>>
      %dma_wait3A_128 = arith.constant 0 : i32
      %dma_wait3A_129 = arith.constant 0 : i32
      %dma_wait3A_130 = tpu.memref_slice %arg2[%dma_wait3A_128, %dma_wait3A_129] : memref<1000000x64xf32, #tpu.memory_space<hbm>> -> memref<1x64xf32, #tpu.memory_space<hbm>>
      %dma_wait3A_131 = arith.constant 0 : i32
      %dma_wait3A_132 = tpu.memref_slice %arg6[%add3A_125, %dma_wait3A_131] : memref<512x64xf32, #tpu.memory_space<vmem>> -> memref<1x64xf32, #tpu.memory_space<vmem>>
      %dma_wait3A_133 = arith.constant 0 : i32
      %dma_wait3A_134 = arith.constant 0 : i32
      %dma_wait3A_135 = tpu.memref_slice %arg2[%dma_wait3A_133, %dma_wait3A_134] : memref<1000000x64xf32, #tpu.memory_space<hbm>> -> memref<1x64xf32, #tpu.memory_space<hbm>>
      tpu.wait_dma2 semaphore(%arg7 : memref<!tpu.dma_semaphore, #tpu.memory_space<semaphore_mem>>) src(%dma_wait3A_135 : memref<1x64xf32, #tpu.memory_space<hbm>>) dst(%dma_wait3A_132 : memref<1x64xf32, #tpu.memory_space<vmem>>)
      %add3A_136 = arith.constant 10 : i32
      %add3A_137 = arith.addi %mul3A_16, %add3A_136 : i32
      %dma_wait3A_138 = arith.constant 0 : i32
      %dma_wait3A_139 = tpu.memref_slice %arg6[%add3A_137, %dma_wait3A_138] : memref<512x64xf32, #tpu.memory_space<vmem>> -> memref<1x64xf32, #tpu.memory_space<vmem>>
      %dma_wait3A_140 = arith.constant 0 : i32
      %dma_wait3A_141 = arith.constant 0 : i32
      %dma_wait3A_142 = tpu.memref_slice %arg2[%dma_wait3A_140, %dma_wait3A_141] : memref<1000000x64xf32, #tpu.memory_space<hbm>> -> memref<1x64xf32, #tpu.memory_space<hbm>>
      %dma_wait3A_143 = arith.constant 0 : i32
      %dma_wait3A_144 = tpu.memref_slice %arg6[%add3A_137, %dma_wait3A_143] : memref<512x64xf32, #tpu.memory_space<vmem>> -> memref<1x64xf32, #tpu.memory_space<vmem>>
      %dma_wait3A_145 = arith.constant 0 : i32
      %dma_wait3A_146 = arith.constant 0 : i32
      %dma_wait3A_147 = tpu.memref_slice %arg2[%dma_wait3A_145, %dma_wait3A_146] : memref<1000000x64xf32, #tpu.memory_space<hbm>> -> memref<1x64xf32, #tpu.memory_space<hbm>>
      tpu.wait_dma2 semaphore(%arg7 : memref<!tpu.dma_semaphore, #tpu.memory_space<semaphore_mem>>) src(%dma_wait3A_147 : memref<1x64xf32, #tpu.memory_space<hbm>>) dst(%dma_wait3A_144 : memref<1x64xf32, #tpu.memory_space<vmem>>)
      %add3A_148 = arith.constant 11 : i32
      %add3A_149 = arith.addi %mul3A_16, %add3A_148 : i32
      %dma_wait3A_150 = arith.constant 0 : i32
      %dma_wait3A_151 = tpu.memref_slice %arg6[%add3A_149, %dma_wait3A_150] : memref<512x64xf32, #tpu.memory_space<vmem>> -> memref<1x64xf32, #tpu.memory_space<vmem>>
      %dma_wait3A_152 = arith.constant 0 : i32
      %dma_wait3A_153 = arith.constant 0 : i32
      %dma_wait3A_154 = tpu.memref_slice %arg2[%dma_wait3A_152, %dma_wait3A_153] : memref<1000000x64xf32, #tpu.memory_space<hbm>> -> memref<1x64xf32, #tpu.memory_space<hbm>>
      %dma_wait3A_155 = arith.constant 0 : i32
      %dma_wait3A_156 = tpu.memref_slice %arg6[%add3A_149, %dma_wait3A_155] : memref<512x64xf32, #tpu.memory_space<vmem>> -> memref<1x64xf32, #tpu.memory_space<vmem>>
      %dma_wait3A_157 = arith.constant 0 : i32
      %dma_wait3A_158 = arith.constant 0 : i32
      %dma_wait3A_159 = tpu.memref_slice %arg2[%dma_wait3A_157, %dma_wait3A_158] : memref<1000000x64xf32, #tpu.memory_space<hbm>> -> memref<1x64xf32, #tpu.memory_space<hbm>>
      tpu.wait_dma2 semaphore(%arg7 : memref<!tpu.dma_semaphore, #tpu.memory_space<semaphore_mem>>) src(%dma_wait3A_159 : memref<1x64xf32, #tpu.memory_space<hbm>>) dst(%dma_wait3A_156 : memref<1x64xf32, #tpu.memory_space<vmem>>)
      %add3A_160 = arith.constant 12 : i32
      %add3A_161 = arith.addi %mul3A_16, %add3A_160 : i32
      %dma_wait3A_162 = arith.constant 0 : i32
      %dma_wait3A_163 = tpu.memref_slice %arg6[%add3A_161, %dma_wait3A_162] : memref<512x64xf32, #tpu.memory_space<vmem>> -> memref<1x64xf32, #tpu.memory_space<vmem>>
      %dma_wait3A_164 = arith.constant 0 : i32
      %dma_wait3A_165 = arith.constant 0 : i32
      %dma_wait3A_166 = tpu.memref_slice %arg2[%dma_wait3A_164, %dma_wait3A_165] : memref<1000000x64xf32, #tpu.memory_space<hbm>> -> memref<1x64xf32, #tpu.memory_space<hbm>>
      %dma_wait3A_167 = arith.constant 0 : i32
      %dma_wait3A_168 = tpu.memref_slice %arg6[%add3A_161, %dma_wait3A_167] : memref<512x64xf32, #tpu.memory_space<vmem>> -> memref<1x64xf32, #tpu.memory_space<vmem>>
      %dma_wait3A_169 = arith.constant 0 : i32
      %dma_wait3A_170 = arith.constant 0 : i32
      %dma_wait3A_171 = tpu.memref_slice %arg2[%dma_wait3A_169, %dma_wait3A_170] : memref<1000000x64xf32, #tpu.memory_space<hbm>> -> memref<1x64xf32, #tpu.memory_space<hbm>>
      tpu.wait_dma2 semaphore(%arg7 : memref<!tpu.dma_semaphore, #tpu.memory_space<semaphore_mem>>) src(%dma_wait3A_171 : memref<1x64xf32, #tpu.memory_space<hbm>>) dst(%dma_wait3A_168 : memref<1x64xf32, #tpu.memory_space<vmem>>)
      %add3A_172 = arith.constant 13 : i32
      %add3A_173 = arith.addi %mul3A_16, %add3A_172 : i32
      %dma_wait3A_174 = arith.constant 0 : i32
      %dma_wait3A_175 = tpu.memref_slice %arg6[%add3A_173, %dma_wait3A_174] : memref<512x64xf32, #tpu.memory_space<vmem>> -> memref<1x64xf32, #tpu.memory_space<vmem>>
      %dma_wait3A_176 = arith.constant 0 : i32
      %dma_wait3A_177 = arith.constant 0 : i32
      %dma_wait3A_178 = tpu.memref_slice %arg2[%dma_wait3A_176, %dma_wait3A_177] : memref<1000000x64xf32, #tpu.memory_space<hbm>> -> memref<1x64xf32, #tpu.memory_space<hbm>>
      %dma_wait3A_179 = arith.constant 0 : i32
      %dma_wait3A_180 = tpu.memref_slice %arg6[%add3A_173, %dma_wait3A_179] : memref<512x64xf32, #tpu.memory_space<vmem>> -> memref<1x64xf32, #tpu.memory_space<vmem>>
      %dma_wait3A_181 = arith.constant 0 : i32
      %dma_wait3A_182 = arith.constant 0 : i32
      %dma_wait3A_183 = tpu.memref_slice %arg2[%dma_wait3A_181, %dma_wait3A_182] : memref<1000000x64xf32, #tpu.memory_space<hbm>> -> memref<1x64xf32, #tpu.memory_space<hbm>>
      tpu.wait_dma2 semaphore(%arg7 : memref<!tpu.dma_semaphore, #tpu.memory_space<semaphore_mem>>) src(%dma_wait3A_183 : memref<1x64xf32, #tpu.memory_space<hbm>>) dst(%dma_wait3A_180 : memref<1x64xf32, #tpu.memory_space<vmem>>)
      %add3A_184 = arith.constant 14 : i32
      %add3A_185 = arith.addi %mul3A_16, %add3A_184 : i32
      %dma_wait3A_186 = arith.constant 0 : i32
      %dma_wait3A_187 = tpu.memref_slice %arg6[%add3A_185, %dma_wait3A_186] : memref<512x64xf32, #tpu.memory_space<vmem>> -> memref<1x64xf32, #tpu.memory_space<vmem>>
      %dma_wait3A_188 = arith.constant 0 : i32
      %dma_wait3A_189 = arith.constant 0 : i32
      %dma_wait3A_190 = tpu.memref_slice %arg2[%dma_wait3A_188, %dma_wait3A_189] : memref<1000000x64xf32, #tpu.memory_space<hbm>> -> memref<1x64xf32, #tpu.memory_space<hbm>>
      %dma_wait3A_191 = arith.constant 0 : i32
      %dma_wait3A_192 = tpu.memref_slice %arg6[%add3A_185, %dma_wait3A_191] : memref<512x64xf32, #tpu.memory_space<vmem>> -> memref<1x64xf32, #tpu.memory_space<vmem>>
      %dma_wait3A_193 = arith.constant 0 : i32
      %dma_wait3A_194 = arith.constant 0 : i32
      %dma_wait3A_195 = tpu.memref_slice %arg2[%dma_wait3A_193, %dma_wait3A_194] : memref<1000000x64xf32, #tpu.memory_space<hbm>> -> memref<1x64xf32, #tpu.memory_space<hbm>>
      tpu.wait_dma2 semaphore(%arg7 : memref<!tpu.dma_semaphore, #tpu.memory_space<semaphore_mem>>) src(%dma_wait3A_195 : memref<1x64xf32, #tpu.memory_space<hbm>>) dst(%dma_wait3A_192 : memref<1x64xf32, #tpu.memory_space<vmem>>)
      %add3A_196 = arith.constant 15 : i32
      %add3A_197 = arith.addi %mul3A_16, %add3A_196 : i32
      %dma_wait3A_198 = arith.constant 0 : i32
      %dma_wait3A_199 = tpu.memref_slice %arg6[%add3A_197, %dma_wait3A_198] : memref<512x64xf32, #tpu.memory_space<vmem>> -> memref<1x64xf32, #tpu.memory_space<vmem>>
      %dma_wait3A_200 = arith.constant 0 : i32
      %dma_wait3A_201 = arith.constant 0 : i32
      %dma_wait3A_202 = tpu.memref_slice %arg2[%dma_wait3A_200, %dma_wait3A_201] : memref<1000000x64xf32, #tpu.memory_space<hbm>> -> memref<1x64xf32, #tpu.memory_space<hbm>>
      %dma_wait3A_203 = arith.constant 0 : i32
      %dma_wait3A_204 = tpu.memref_slice %arg6[%add3A_197, %dma_wait3A_203] : memref<512x64xf32, #tpu.memory_space<vmem>> -> memref<1x64xf32, #tpu.memory_space<vmem>>
      %dma_wait3A_205 = arith.constant 0 : i32
      %dma_wait3A_206 = arith.constant 0 : i32
      %dma_wait3A_207 = tpu.memref_slice %arg2[%dma_wait3A_205, %dma_wait3A_206] : memref<1000000x64xf32, #tpu.memory_space<hbm>> -> memref<1x64xf32, #tpu.memory_space<hbm>>
      tpu.wait_dma2 semaphore(%arg7 : memref<!tpu.dma_semaphore, #tpu.memory_space<semaphore_mem>>) src(%dma_wait3A_207 : memref<1x64xf32, #tpu.memory_space<hbm>>) dst(%dma_wait3A_204 : memref<1x64xf32, #tpu.memory_space<vmem>>)
    }
    %scan3A_13 = arith.constant 32 : i32
    "tpu.region"() ({
      %run_scoped3A = tpu.sem_alloc : memref<!tpu.dma_semaphore, #tpu.memory_space<semaphore_mem>>
      %dma_start3A = arith.constant 0 : i32
      %dma_start3A_14 = tpu.memref_slice %arg4[%mul3A_2, %dma_start3A] : memref<16384x64xf32, #tpu.memory_space<hbm>> -> memref<512x64xf32, #tpu.memory_space<hbm>>
      %dma_start3A_15 = arith.constant 0 : i32
      %dma_start3A_16 = tpu.memref_slice %arg4[%mul3A_2, %dma_start3A_15] : memref<16384x64xf32, #tpu.memory_space<hbm>> -> memref<512x64xf32, #tpu.memory_space<hbm>>
      tpu.enqueue_dma source(%arg6 : memref<512x64xf32, #tpu.memory_space<vmem>>) target(%dma_start3A_16 : memref<512x64xf32, #tpu.memory_space<hbm>>) target_semaphore(%run_scoped3A : memref<!tpu.dma_semaphore, #tpu.memory_space<semaphore_mem>>)
      %dma_wait3A = arith.constant 0 : i32
      %dma_wait3A_17 = tpu.memref_slice %arg4[%mul3A_2, %dma_wait3A] : memref<16384x64xf32, #tpu.memory_space<hbm>> -> memref<512x64xf32, #tpu.memory_space<hbm>>
      %dma_wait3A_18 = arith.constant 0 : i32
      %dma_wait3A_19 = tpu.memref_slice %arg4[%mul3A_2, %dma_wait3A_18] : memref<16384x64xf32, #tpu.memory_space<hbm>> -> memref<512x64xf32, #tpu.memory_space<hbm>>
      tpu.wait_dma2 semaphore(%run_scoped3A : memref<!tpu.dma_semaphore, #tpu.memory_space<semaphore_mem>>) src(%arg6 : memref<512x64xf32, #tpu.memory_space<vmem>>) dst(%dma_wait3A_19 : memref<512x64xf32, #tpu.memory_space<hbm>>)
      tpu.yield
    }) : () -> ()
    return
  }
}

</mosaic_0001>

<sc_bundles>
// kernel: _sc_gather.3.cloned.1.call-start
scs
__scs_entry_jumppad:
0x0: {  	(pc) =	sbr.rel $0x88, $3  }
0x1: {  	(tag) =	ssettag $0x0;
	lr =	simm.s32 $0x1  }
0x2: {  	[smem:$0x3F9F] =	sst lr;
	_ =	strace $0xD0000000  }
0x3: {  	_ = 	snop  }
0x4: {  	_ = 	snop  }
0x5: {  	_ = 	snop  }
0x6: {  	_ = 	snop  }
0x7: {  	_ = 	snop  }
__scs_overlays_trampoline_lowered:
0x8: {  	[smem:$0x3FAE] =	sst s0  }
0x9: {  	[smem:$0x3FAF] =	sst s1  }
0xa: {  	[smem:$0x3FB0] =	sst s2  }
0xb: {  	[smem:$0x3FB1] =	sst s3  }
0xc: {  	[smem:$0x3FB2] =	sst s4  }
0xd: {  	[smem:$0x3FB3] =	sst s5  }
0xe: {  	[smem:$0x3FB4] =	sst s6  }
0xf: {  	[smem:$0x3FB5] =	sst s7  }
0x10: {  	[smem:$0x3FB6] =	sst s8  }
0x11: {  	[smem:$0x3FB7] =	sst s9;
	s0 =	simm.s32 @!p0 $0x0  }
0x12: {  	s1 =	sld [smem:$0x3F9D];
	s0 =	simm.s32 @p0 $0x1  }
0x13: {  	[smem:$0x3FB8] =	sst s0;
	s0 =	simm.s32 @!p1 $0x0  }
0x14: {  	s2 =	sld [smem:$0x3F9C];
	s0 =	simm.s32 @p1 $0x1  }
0x15: {  	[smem:$0x3FB9] =	sst s0;
	s0 =	simm.s32 @!p2 $0x0  }
0x16: {  	s3 =	sld [smem:$0x3FDB];
	s0 =	simm.s32 @p2 $0x1  }
0x17: {  	s4 =	simm.s32 $0x1BF5;
	[smem:$0x3FBB] =	sst s0  }
0x18: {  	s0 =	sld [smem:$0x3F9E];
	_ =	swait.ge [sflag:s4], $0x0  }
0x19: {  	s7 =	sld [smem:$0x3F9F]  }
0x1a: {  	s8 =	sadd.s32 $0xFFFFE003, lr  }
0x1b: {  	s9 =	sadd.s32 $0xFFFFFEF7, lr;
	s5 =	simm.s32 $0xFFFFFFFF;
	p2 =	slt.u32 s8, $0xFFFFF086  }
0x1c: {  	p1 =	slt.u32 s9, $0xF7A;
	s5 =	simm.s32 @!p2 $0x0  }
0x1d: {  	s5 =	simm.s32 @p1 $0x1;
	p0 =	seq.s32 s7, s2  }
0x1e: {  	s7 =	smul.u32 @!p0 $0xF7A, s2;
	p2 =	seq.s32 @!p0 s5, $0x0  }
0x1f: {  	s9 =	smul.u32 $0xF7A, s1;
	s8 =	simm.s32 @!p0 $0x1BF5;
	p2 =	por !p2, p0  }
0x20: {  	[sflag:s8] =	ssyncset.s32 @!p0 $0xFFFFF086;
	s6 =	sadd.s32 @!p0 s3, s7;
	s7 =	simm.s32 @!p0 $0x108  }
0x21: {  	s3 =	sadd.s32 s3, s9;
	s6 =	sadd.s32 @!p0 $0x88, s6;
	s7 =	simm.s32 @p2 $0x1082  }
0x22: {  	[simem:s7], [sflag:s8] =	dma.local @!p0 [hbm:s6], $0xF7A  }
0x23: {  	s9 =	sor.u32 $0xD0000000, s2;
	s6 =	simm.s32 $0x108;
	_ =	swait.ge @!p0 [sflag:s8], $0x0  }
0x24: {  	s3 =	sadd.s32 $0x88, s3;
	s6 =	simm.s32 @!p1 $0x1082;
	[sflag:s4] =	ssyncset.s32 $0xFFFFF086  }
0x25: {  	[simem:s6], [sflag:s4] =	dma.local [hbm:s3], $0xF7A  }
0x26: {  	[smem:$0x3F9F] =	sst s1;
	(tag) =	ssettag s2;
	_ =	strace s9  }
0x27: {  	s1 =	sld [smem:$0x3FAF]  }
0x28: {  	s2 =	sld [smem:$0x3FB0]  }
0x29: {  	s4 =	sld [smem:$0x3FB2]  }
0x2a: {  	p0 =	seq.s32 s5, $0x0;
	s5 =	sld [smem:$0x3FB3]  }
0x2b: {  	s6 =	sld [smem:$0x3FB4]  }
0x2c: {  	s7 =	sld [smem:$0x3FB5]  }
0x2d: {  	s3 =	simm.s32 $0x108;
	s8 =	sld [smem:$0x3FB6]  }
0x2e: {  	s3 =	simm.s32 @!p0 $0x1082;
	s9 =	sld [smem:$0x3FB7]  }
0x2f: {  	lr =	sadd.s32 s0, s3;
	s0 =	sld [smem:$0x3FAE]  }
0x30: {  	s3 =	sld [smem:$0x3FB1]  }
0x31: {  	[smem:$0x3FBA] =	sst s10  }
0x32: {  	s10 =	sld [smem:$0x3FB8];
	_ =	sdelay $0x3  }
0x33: {  	p0 =	seq.s32 s10, $0x1;
	s10 =	sld [smem:$0x3FBA];
	_ =	sdelay $0x3  }
0x34: {  	[smem:$0x3FBA] =	sst s10  }
0x35: {  	s10 =	sld [smem:$0x3FB9];
	_ =	sdelay $0x3  }
0x36: {  	p1 =	seq.s32 s10, $0x1;
	s10 =	sld [smem:$0x3FBA];
	_ =	sdelay $0x3  }
0x37: {  	[smem:$0x3FBA] =	sst s10  }
0x38: {  	s10 =	sld [smem:$0x3FBB]  }
0x39: {  	_ = 	snop;
	(pc) =	sbr.ind lr, $3  }
0x3a: {  	_ = 	snop  }
0x3b: {  	_ = 	snop  }
0x3c: {  	p2 =	seq.s32 s10, $0x1;
	s10 =	sld [smem:$0x3FBA]  }
0x3d: {  	_ =	shalt  }
0x3e: {  	_ =	shalt  }
0x3f: {  	_ =	shalt  }
0x40: {  	_ =	shalt  }
0x41: {  	_ =	shalt  }
0x42: {  	_ =	shalt  }
0x43: {  	_ =	shalt  }
0x44: {  	_ =	shalt  }
0x45: {  	_ =	shalt  }
0x46: {  	_ =	shalt  }
0x47: {  	_ =	shalt  }
0x48: {  	_ =	shalt  }
0x49: {  	_ =	shalt  }
0x4a: {  	_ =	shalt  }
0x4b: {  	_ =	shalt  }
0x4c: {  	_ =	shalt  }
0x4d: {  	_ =	shalt  }
0x4e: {  	_ =	shalt  }
0x4f: {  	_ =	shalt  }
0x50: {  	_ =	shalt  }
0x51: {  	_ =	shalt  }
0x52: {  	_ =	shalt  }
0x53: {  	_ =	shalt  }
0x54: {  	_ =	shalt  }
0x55: {  	_ =	shalt  }
0x56: {  	_ =	shalt  }
0x57: {  	_ =	shalt  }
0x58: {  	_ =	shalt  }
0x59: {  	_ =	shalt  }
0x5a: {  	_ =	shalt  }
0x5b: {  	_ =	shalt  }
0x5c: {  	_ =	shalt  }
0x5d: {  	_ =	shalt  }
0x5e: {  	_ =	shalt  }
0x5f: {  	_ =	shalt  }
0x60: {  	_ =	shalt  }
0x61: {  	_ =	shalt  }
0x62: {  	_ =	shalt  }
0x63: {  	_ =	shalt  }
0x64: {  	_ =	shalt  }
0x65: {  	_ =	shalt  }
0x66: {  	_ =	shalt  }
0x67: {  	_ =	shalt  }
0x68: {  	_ =	shalt  }
0x69: {  	_ =	shalt  }
0x6a: {  	_ =	shalt  }
0x6b: {  	_ =	shalt  }
0x6c: {  	_ =	shalt  }
0x6d: {  	_ =	shalt  }
0x6e: {  	_ =	shalt  }
0x6f: {  	_ =	shalt  }
0x70: {  	_ =	shalt  }
0x71: {  	_ =	shalt  }
0x72: {  	_ =	shalt  }
0x73: {  	_ =	shalt  }
0x74: {  	_ =	shalt  }
0x75: {  	_ =	shalt  }
0x76: {  	_ =	shalt  }
0x77: {  	_ =	shalt  }
0x78: {  	_ =	shalt  }
0x79: {  	_ =	shalt  }
0x7a: {  	_ =	shalt  }
0x7b: {  	_ =	shalt  }
0x7c: {  	_ =	shalt  }
0x7d: {  	_ =	shalt  }
0x7e: {  	_ =	shalt  }
0x7f: {  	_ =	shalt  }
0x80: {  	_ =	shalt  }
0x81: {  	_ =	shalt  }
0x82: {  	_ =	shalt  }
0x83: {  	_ =	shalt  }
0x84: {  	_ =	shalt  }
0x85: {  	_ =	shalt  }
0x86: {  	_ =	shalt  }
0x87: {  	_ =	shalt  }
.Lfunc_end0:
.L_simem_size_0:
called_computation_lowered:
.L_overlay_start_0:
0x88: {  	s2 =	sld [smem:$0x3FD9]  }
0x89: {  	s3 =	sld [smem:$0x3FFE];
	_ =	sdelay $0x1  }
0x8a: {  	s1 =	srdreg.scid  }
0x8b: {  	s0 =	sand.u32 $0x1, s1  }
0x8c: {  	s17 =	sshll.u32 s0, $0xA;
	s2 =	sadd.s32 s3, s2  }
0x8d: {  	s2 =	sadd.s32 s2, s17  }
0x8e: {  	[smem:$0x3FC6] =	sst s2  }
0x8f: {  	_ = 	snop  }
0x90: {  	s2 =	sld [smem:$0x3FC8];
	(tm) =	ssettm $0x1  }
0x91: {  	s18 =	sld [smem:$0x3FFB];
	_ =	sdelay $0x3  }
0x92: {  	_ =	strace s18  }
0x93: {  	s3 =	sld [smem:$0x3FFC];
	_ =	sdelay $0x3  }
0x94: {  	_ =	strace s3  }
0x95: {  	s3 =	sld [smem:$0x3FFD];
	_ =	sdelay $0x3  }
0x96: {  	_ =	strace s3  }
0x97: {  	_ =	strace $0x8FFFFFFF  }
0x98: {  	s19 =	sld [smem:$0x3FDB];
	_ =	sdelay $0x1  }
0x99: {  	s4 =	simm.s32 $_scs_section_size  }
0x9a: {  	s5 =	simm.s32 $_size__tile_overlayer_lowered;
	s6 =	simm.s32 $_tile_overlayer_lowered  }
0x9b: {  	s22 =	simm.s32 $0x1BFF;
	s21 =	sshll.u32 s6, $0x1;
	s3 =	sadd.s32 s4, s19  }
0x9c: {  	s7 =	simm.s32 $0x0;
	s20 =	sshll.u32 s5, $0x1;
	s5 =	sadd.s32 s21, s3  }
0x9d: {  	[timem:s7], [sflag:s22] =	dma.local [hbm:s5], s20  }
0x9e: {  	_ =	swait.ge [sflag:s22], s20  }
0x9f: {  	s4 =	ssub.s32 $0x0, s20;
	[sflag:s22] =	ssyncset.done $0x0  }
0xa0: {  	[sflag:s22] =	ssyncadd.s32 s4;
	_ =	sdelay $0x1  }
0xa1: {  	s23 =	simm.s32 $0x1B8B  }
0xa2: {  	_ =	swait.ge [sflag:s23], $0x1  }
0xa3: {  	[sflag:s23] =	ssyncset.done $0x0  }
0xa4: {  	s25 =	simm.s32 $0x1B8E;
	s24 =	sld [smem:$0x3FFE];
	[sflag:s23] =	ssyncadd.s32 $0xFFFFFFFF  }
0xa5: {  	s26 =	simm.s32 $execute0_lowered;
	[smem:$0x3FD2] =	sst s25  }
0xa6: {  	s5 =	sshll.u32 s26, $0x1;
	_ =	strace $0x80000046;
	[dreg:$0x1] =	wrdreg $0xFFFFFFFF  }
0xa7: {  	s28 =	simm.s32 $_size_execute0_lowered;
	s3 =	sadd.s32 s3, s5;
	[dreg:$0x0] =	wrdreg $0x0  }
0xa8: {  	s5 =	sshll.u32 s28, $0x1;
	[dreg:$0x2] =	wrdreg s3  }
0xa9: {  	[dreg:$0x3] =	wrdreg s5  }
0xaa: {  	[dreg:$0x4] =	wrdreg $0xC0  }
0xab: {  	_ =	task [dreg:s7], $0x5FFFF  }
0xac: {  	[dreg:$0x1] =	wrdreg $0xFFFFFFFF  }
0xad: {  	[dreg:$0x0] =	wrdreg $0x60  }
0xae: {  	[dreg:$0x2] =	wrdreg s24  }
0xaf: {  	[dreg:$0x3] =	wrdreg s2  }
0xb0: {  	[dreg:$0x4] =	wrdreg $0x9  }
0xb1: {  	_ =	task.clear_ibuf [dreg:s7], $0x5FFFF;
	_ =	strace $0x90000046  }
0xb2: {  	s29 =	simm.s32 $0x9;
	_ =	strace $0x80000048  }
0xb3: {  	_ =	swait.ge [sflag:s29], $0x1  }
0xb4: {  	[sflag:s29] =	ssyncadd.s32 $0xFFFFFFFF  }
0xb5: {  	_ =	strace $0x90000048  }
0xb6: {  	_ =	sfence  }
0xb7: {  	s30 =	sld [smem:$0x0];
	_ =	sdelay $0x2  }
0xb8: {  	s31 =	sshll.u32 s1, $0xD;
	s1 =	sshrl.u32 s1, $0x2  }
0xb9: {  	s3 =	sand.u32 $0x4000, s31;
	s1 =	sadd.s32 s1, s30  }
0xba: {  	s0 =	sor.u32 s3, s0;
	s1 =	sshll.u32 s1, $0x11  }
0xbb: {  	s0 =	sor.u32 s1, s0  }
0xbc: {  	s0 =	sadd.s32 $0x8F2B, s0  }
0xbd: {  	[sflag:s0] =	ssyncadd.remote.s32 $0x1  }
0xbe: {  	_ =	sfence.sel $0xFFFF  }
0xbf: {  	[dreg:$0x0] =	wrdreg $0xFFFFFFFF;
	(pc) =	sbr.abs _section_cstart, $3  }
0xc0: {  	[dreg:$0x1] =	wrdreg $0xFFFFFFFF  }
0xc1: {  	_ =	task.clear_ibuf [dreg:s7], $0x2FFFF;
	_ =	strace $0x9FFFFFFF  }
0xc2: {  	(tm) =	ssettm $0x7FFFFFFF  }
0xc3: {  	_ =	shalt  }
tec
execute0_lowered:
.L_overlay_start_1:
0x0: {  	(tag) =	ssettag $0x1  }
0x1: {  	s4 =	rddreg [dreg:$0x0]  }
0x2: {  	s5 =	rddreg [dreg:$0x1]  }
0x3: {  	s0 =	rddreg [dreg:$0x2];
	s2 =	simm.s32 $0x0;
	s3 =	srdreg.scid  }
0x4: {  	s1 =	stileid.u32;
	s10 =	simm.s32 $0x0;
	s6 =	sand.u32 $0x1, s3  }
0x5: {  	[smem:$0x7FF] =	sst s2;
	s7 =	sshll.u32 s1, $0xA;
	s8 =	sshll.u32 s6, $0x9  }
0x6: {  	s3 =	sadd.s32 $0x400, s4;
	s6 =	ssub.s32 $0x2, s6;
	s7 =	sor.u32 s8, s7  }
0x7: {  	_ =	strace $0x80000047;
	s9 =	sshrl.u32 s6, $0x1;
	s8 =	sshll.u32 s7, $0x4  }
0x8: {  	s7 =	sshrl.u32 s7, $0x3;
	s6 =	ssub.s32 s6, s9;
	s9 =	simm.s32 $0x200  }
0x9: {  	s8 =	sadd.s32 s8, s4;
	s4 =	sadd.s32 s5, s7;
	s6 =	smax.u32 s6, $0x1  }
0xa: {  	s7 =	simm.s32 $0x2;
	s5 =	sadd.s32 $0xF42800, s8;
	s8 =	simm.s32 $0x1  }
.LBB2_1:
0xb: {  	[tilespmem:s2], [sflag:$0x2] =	stream.linear.gather [hbm4b:s4+s2], $0x200, $0x38;
	[tilespmem:$0x10200] =	vst v63  }
0xc: {  	_ =	swait.ge [sflag:s7], $0x200  }
0xd: {  	[sflag:s7] =	ssyncset.done $0x0  }
0xe: {  	[sflag:s7] =	ssyncadd.s32 $0xFFFFFE00  }
0xf: {  	v0 =	vld [tilespmem:s2+$0x0];
	_ =	sdelay $0x4  }
0x10: {  	v0 =	vshll.u32 v0, $0x4  }
0x11: {  	(v2sf) =	vpush v0, $0x0  }
0x12: {  	(v2sf) =	vpush v0, $0x1  }
0x13: {  	(v2sf) =	vpush v0, $0x2;
	_ =	sdelay $0x1  }
0x14: {  	(v2sf) =	vpush v0, $0x4;
	_ =	sdelay $0x1  }
0x15: {  	(v2sf) =	vpush v0, $0x3  }
0x16: {  	(v2sf) =	vpush v0, $0x5  }
0x17: {  	s12 =	simm.s32 $0x2000;
	s11 =	simm.s32 $0x0;
	s13 =	simm.s32 $0x0;
	(v2sf) =	vpush v0, $0x6  }
.LBB2_2:
0x18: {  	p0 =	sne.s32 s12, $0x3E000  }
0x19: {  	s23 =	sadd.s32 $0x280, s11;
	s17 =	sadd.s32 $0x780, s11;
	s14 =	smov.u32 s12  }
0x1a: {  	s12 =	sadd.s32 $0x2000, s12;
	s20 =	sadd.s32 $0x580, s11;
	s15 =	sadd.s32 $0x800, s11;
	(v2sf) =	vpush v0, $0x7  }
0x1b: {  	s22 =	sadd.s32 $0x480, s11;
	s19 =	sadd.s32 $0x600, s11;
	s16 =	sadd.s32 $0x880, s11  }
0x1c: {  	s24 =	sadd.s32 $0x200, s11;
	s25 =	sadd.s32 $0x400, s11;
	(v2sf) =	vpush v0, $0x8  }
0x1d: {  	s26 =	sadd.s32 $0x500, s11;
	s13 =	sadd.s32 $0x10, s13  }
0x1e: {  	s28 =	sadd.s32 $0x300, s11;
	s18 =	sadd.s32 $0x700, s11;
	s21 =	spop (v2sf);
	(v2sf) =	vpush v0, $0x9  }
0x1f: {  	s29 =	sand.u32 $0x1FFFFFF0, s21;
	s21 =	sadd.s32 $0x680, s11;
	s30 =	spop (v2sf)  }
0x20: {  	s29 =	sadd.s32 s3, s29;
	s30 =	sand.u32 $0x1FFFFFF0, s30;
	s31 =	spop (v2sf);
	(v2sf) =	vpush v0, $0xA  }
0x21: {  	[tilespmem:s24], [sflag:$0x1] =	stream.linear.gather [hbm4b:s29+s2], $0x80, $0x38;
	[tilespmem:$0x10200] =	vst v63  }
0x22: {  	s24 =	sadd.s32 s3, s30;
	s29 =	sadd.s32 $0x380, s11;
	s30 =	spop (v2sf);
	(v2sf) =	vpush v0, $0xB  }
0x23: {  	[tilespmem:s23], [sflag:$0x1] =	stream.linear.gather [hbm4b:s24+s2], $0x80, $0x38;
	[tilespmem:$0x10200] =	vst v63  }
0x24: {  	s23 =	sand.u32 $0x1FFFFFF0, s31;
	s24 =	sand.u32 $0x1FFFFFF0, s30;
	s30 =	spop (v2sf);
	(v2sf) =	vpush v0, $0xC  }
0x25: {  	s23 =	sadd.s32 s3, s23;
	s30 =	sand.u32 $0x1FFFFFF0, s30;
	s31 =	spop (v2sf)  }
0x26: {  	[tilespmem:s28], [sflag:$0x1] =	stream.linear.gather [hbm4b:s23+s2], $0x80, $0x38;
	(v2sf) =	vpush v0, $0xD;
	[tilespmem:$0x10200] =	vst v63  }
0x27: {  	s23 =	sadd.s32 s3, s30;
	s28 =	sand.u32 $0x1FFFFFF0, s31;
	s30 =	spop (v2sf)  }
0x28: {  	[tilespmem:s29], [sflag:$0x1] =	stream.linear.gather [hbm4b:s23+s2], $0x80, $0x38;
	(v2sf) =	vpush v0, $0xE;
	[tilespmem:$0x10200] =	vst v63  }
0x29: {  	s23 =	sadd.s32 s3, s24;
	s24 =	sand.u32 $0x1FFFFFF0, s30;
	s29 =	spop (v2sf)  }
0x2a: {  	[tilespmem:s25], [sflag:$0x1] =	stream.linear.gather [hbm4b:s23+s2], $0x80, $0x38;
	(v2sf) =	vpush v0, $0xF;
	[tilespmem:$0x10200] =	vst v63  }
0x2b: {  	s23 =	sadd.s32 s3, s28;
	s25 =	sand.u32 $0x1FFFFFF0, s29;
	s28 =	spop (v2sf)  }
0x2c: {  	[tilespmem:s22], [sflag:$0x1] =	stream.linear.gather [hbm4b:s23+s2], $0x80, $0x38;
	[tilespmem:$0x10200] =	vst v63  }
0x2d: {  	s22 =	sadd.s32 s3, s24;
	s23 =	sand.u32 $0x1FFFFFF0, s28;
	s24 =	spop (v2sf)  }
0x2e: {  	[tilespmem:s26], [sflag:$0x1] =	stream.linear.gather [hbm4b:s22+s2], $0x80, $0x38;
	[tilespmem:$0x10200] =	vst v63  }
0x2f: {  	s22 =	sadd.s32 s3, s25;
	s24 =	sand.u32 $0x1FFFFFF0, s24;
	s25 =	spop (v2sf)  }
0x30: {  	[tilespmem:s20], [sflag:$0x1] =	stream.linear.gather [hbm4b:s22+s2], $0x80, $0x38;
	[tilespmem:$0x10200] =	vst v63  }
0x31: {  	s20 =	sadd.s32 s3, s23;
	s22 =	sand.u32 $0x1FFFFFF0, s25;
	s23 =	spop (v2sf)  }
0x32: {  	[tilespmem:s19], [sflag:$0x1] =	stream.linear.gather [hbm4b:s20+s2], $0x80, $0x38;
	[tilespmem:$0x10200] =	vst v63  }
0x33: {  	s19 =	sadd.s32 s3, s24;
	s20 =	sand.u32 $0x1FFFFFF0, s23;
	s23 =	spop (v2sf)  }
0x34: {  	[tilespmem:s21], [sflag:$0x1] =	stream.linear.gather [hbm4b:s19+s2], $0x80, $0x38;
	[tilespmem:$0x10200] =	vst v63  }
0x35: {  	s19 =	sadd.s32 s3, s22;
	s21 =	sand.u32 $0x1FFFFFF0, s23;
	s22 =	spop (v2sf)  }
0x36: {  	[tilespmem:s18], [sflag:$0x1] =	stream.linear.gather [hbm4b:s19+s2], $0x80, $0x38;
	[tilespmem:$0x10200] =	vst v63  }
0x37: {  	s18 =	sadd.s32 s3, s20;
	s19 =	sand.u32 $0x1FFFFFF0, s22;
	s20 =	spop (v2sf)  }
0x38: {  	[tilespmem:s17], [sflag:$0x1] =	stream.linear.gather [hbm4b:s18+s2], $0x80, $0x38;
	[tilespmem:$0x10200] =	vst v63  }
0x39: {  	s17 =	sadd.s32 s3, s21;
	s18 =	sand.u32 $0x1FFFFFF0, s20;
	s20 =	spop (v2sf)  }
0x3a: {  	[tilespmem:s15], [sflag:$0x1] =	stream.linear.gather [hbm4b:s17+s2], $0x80, $0x38;
	[tilespmem:$0x10200] =	vst v63  }
0x3b: {  	s15 =	sadd.s32 s3, s19;
	s17 =	sand.u32 $0x1FFFFFF0, s20  }
0x3c: {  	[tilespmem:s16], [sflag:$0x1] =	stream.linear.gather [hbm4b:s15+s2], $0x80, $0x38;
	[tilespmem:$0x10200] =	vst v63  }
0x3d: {  	s15 =	sadd.s32 $0x900, s11;
	s16 =	sadd.s32 s3, s18  }
0x3e: {  	[tilespmem:s15], [sflag:$0x1] =	stream.linear.gather [hbm4b:s16+s2], $0x80, $0x38;
	[tilespmem:$0x10200] =	vst v63  }
0x3f: {  	s11 =	sadd.s32 $0x980, s11;
	s15 =	sadd.s32 s3, s17  }
0x40: {  	[tilespmem:s11], [sflag:$0x1] =	stream.linear.gather [hbm4b:s15+s2], $0x80, $0x38;
	[tilespmem:$0x10200] =	vst v63  }
0x41: {  	v0 =	vld [tilespmem:s13+$0x0];
	_ =	sdelay $0x4  }
0x42: {  	v0 =	vshll.u32 v0, $0x4  }
0x43: {  	(v2sf) =	vpush v0, $0x0  }
0x44: {  	(v2sf) =	vpush v0, $0x1  }
0x45: {  	(v2sf) =	vpush v0, $0x2;
	_ =	sdelay $0x1  }
0x46: {  	(v2sf) =	vpush v0, $0x4  }
.Ltmp0:
0x47: {  	(pc) =	sbr.rel @p0 .LBB2_2-.Ltmp0, $3  }
0x48: {  	(v2sf) =	vpush v0, $0x3  }
0x49: {  	(v2sf) =	vpush v0, $0x5;
	_ =	sdelay $0x1  }
0x4a: {  	s11 =	sshra.s32 s14, $0x2;
	(v2sf) =	vpush v0, $0x6  }
0x4b: {  	_ =	sdelay $0x1  }
0x4c: {  	s15 =	sadd.s32 $0x280, s11;
	s14 =	sadd.s32 $0x780, s11  }
0x4d: {  	s16 =	sadd.s32 $0x580, s11;
	s12 =	sadd.s32 $0x800, s11;
	(v2sf) =	vpush v0, $0x7;
	s17 =	sadd.s32 $0x480, s11  }
0x4e: {  	s18 =	sadd.s32 $0x600, s11;
	s13 =	sadd.s32 $0x880, s11;
	s19 =	sadd.s32 $0x200, s11  }
0x4f: {  	s20 =	sadd.s32 $0x400, s11;
	s21 =	sadd.s32 $0x500, s11;
	(v2sf) =	vpush v0, $0x8;
	s22 =	spop (v2sf)  }
0x50: {  	s23 =	sadd.s32 $0x300, s11;
	s22 =	sand.u32 $0x1FFFFFF0, s22;
	s24 =	spop (v2sf)  }
0x51: {  	(v2sf) =	vpush v0, $0x9;
	s22 =	sadd.s32 s3, s22;
	s24 =	sand.u32 $0x1FFFFFF0, s24;
	s25 =	spop (v2sf)  }
0x52: {  	[tilespmem:s19], [sflag:$0x1] =	stream.linear.gather [hbm4b:s22+s2], $0x80, $0x38;
	[tilespmem:$0x10200] =	vst v63  }
0x53: {  	s26 =	sadd.s32 $0x380, s11;
	(v2sf) =	vpush v0, $0xA;
	s30 =	sadd.s32 s3, s24;
	s31 =	spop (v2sf)  }
0x54: {  	[tilespmem:s15], [sflag:$0x1] =	stream.linear.gather [hbm4b:s30+s2], $0x80, $0x38;
	[tilespmem:$0x10200] =	vst v63  }
0x55: {  	s19 =	sadd.s32 $0x700, s11;
	s28 =	sand.u32 $0x1FFFFFF0, s25;
	(v2sf) =	vpush v0, $0xB;
	s29 =	spop (v2sf)  }
0x56: {  	s22 =	sadd.s32 s3, s28;
	s15 =	sadd.s32 $0x680, s11;
	s25 =	sand.u32 $0x1FFFFFF0, s29  }
0x57: {  	(v2sf) =	vpush v0, $0xC;
	[tilespmem:s23], [sflag:$0x1] =	stream.linear.gather [hbm4b:s22+s2], $0x80, $0x38;
	[tilespmem:$0x10200] =	vst v63  }
0x58: {  	s30 =	sand.u32 $0x1FFFFFF0, s31;
	s31 =	spop (v2sf);
	s28 =	sadd.s32 s3, s25  }
0x59: {  	(v2sf) =	vpush v0, $0xD;
	[tilespmem:s26], [sflag:$0x1] =	stream.linear.gather [hbm4b:s28+s2], $0x80, $0x38;
	[tilespmem:$0x10200] =	vst v63  }
0x5a: {  	s22 =	sadd.s32 s3, s30;
	s23 =	sand.u32 $0x1FFFFFF0, s31;
	s29 =	spop (v2sf)  }
0x5b: {  	(v2sf) =	vpush v0, $0xE;
	[tilespmem:s20], [sflag:$0x1] =	stream.linear.gather [hbm4b:s22+s2], $0x80, $0x38;
	[tilespmem:$0x10200] =	vst v63  }
0x5c: {  	s23 =	sadd.s32 s3, s23;
	s30 =	sand.u32 $0x1FFFFFF0, s29;
	s31 =	spop (v2sf)  }
0x5d: {  	(v2sf) =	vpush v0, $0xF;
	[tilespmem:s17], [sflag:$0x1] =	stream.linear.gather [hbm4b:s23+s2], $0x80, $0x38;
	[tilespmem:$0x10200] =	vst v63  }
0x5e: {  	s24 =	sand.u32 $0x1FFFFFF0, s31;
	s25 =	spop (v2sf);
	s20 =	sadd.s32 s3, s30  }
0x5f: {  	[tilespmem:s21], [sflag:$0x1] =	stream.linear.gather [hbm4b:s20+s2], $0x80, $0x38;
	[tilespmem:$0x10200] =	vst v63  }
0x60: {  	s26 =	sand.u32 $0x1FFFFFF0, s25;
	s17 =	sadd.s32 s3, s24;
	s28 =	spop (v2sf)  }
0x61: {  	[tilespmem:s16], [sflag:$0x1] =	stream.linear.gather [hbm4b:s17+s2], $0x80, $0x38;
	[tilespmem:$0x10200] =	vst v63  }
0x62: {  	s20 =	sadd.s32 s3, s26;
	s29 =	sand.u32 $0x1FFFFFF0, s28;
	s30 =	spop (v2sf)  }
0x63: {  	[tilespmem:s18], [sflag:$0x1] =	stream.linear.gather [hbm4b:s20+s2], $0x80, $0x38;
	[tilespmem:$0x10200] =	vst v63  }
0x64: {  	s17 =	sand.u32 $0x1FFFFFF0, s30;
	s16 =	sadd.s32 s3, s29;
	s31 =	spop (v2sf)  }
0x65: {  	[tilespmem:s15], [sflag:$0x1] =	stream.linear.gather [hbm4b:s16+s2], $0x80, $0x38;
	[tilespmem:$0x10200] =	vst v63  }
0x66: {  	s17 =	sadd.s32 s3, s17;
	s20 =	sand.u32 $0x1FFFFFF0, s31;
	s21 =	spop (v2sf)  }
0x67: {  	[tilespmem:s19], [sflag:$0x1] =	stream.linear.gather [hbm4b:s17+s2], $0x80, $0x38;
	[tilespmem:$0x10200] =	vst v63  }
0x68: {  	s15 =	sadd.s32 s3, s20;
	s16 =	sand.u32 $0x1FFFFFF0, s21;
	s22 =	spop (v2sf)  }
0x69: {  	[tilespmem:s14], [sflag:$0x1] =	stream.linear.gather [hbm4b:s15+s2], $0x80, $0x38;
	[tilespmem:$0x10200] =	vst v63  }
0x6a: {  	s23 =	sand.u32 $0x1FFFFFF0, s22;
	s16 =	sadd.s32 s3, s16;
	s24 =	spop (v2sf)  }
0x6b: {  	[tilespmem:s12], [sflag:$0x1] =	stream.linear.gather [hbm4b:s16+s2], $0x80, $0x38;
	[tilespmem:$0x10200] =	vst v63  }
0x6c: {  	s25 =	sand.u32 $0x1FFFFFF0, s24;
	s26 =	spop (v2sf);
	s14 =	sadd.s32 s3, s23  }
0x6d: {  	[tilespmem:s13], [sflag:$0x1] =	stream.linear.gather [hbm4b:s14+s2], $0x80, $0x38;
	[tilespmem:$0x10200] =	vst v63  }
0x6e: {  	s29 =	sadd.s32 $0x900, s11;
	s28 =	sand.u32 $0x1FFFFFF0, s26;
	s12 =	sadd.s32 s3, s25  }
0x6f: {  	[tilespmem:s29], [sflag:$0x1] =	stream.linear.gather [hbm4b:s12+s2], $0x80, $0x38;
	[tilespmem:$0x10200] =	vst v63  }
0x70: {  	s30 =	sadd.s32 $0x980, s11;
	s31 =	sadd.s32 s3, s28  }
0x71: {  	[tilespmem:s30], [sflag:$0x1] =	stream.linear.gather [hbm4b:s31+s2], $0x80, $0x38;
	[tilespmem:$0x10200] =	vst v63  }
0x72: {  	_ =	swait.ge [sflag:s8], $0x80  }
0x73: {  	[sflag:s8] =	ssyncset.done $0x0  }
0x74: {  	[sflag:s8] =	ssyncadd.s32 $0xFFFFFF80  }
0x75: {  	_ =	swait.ge [sflag:s8], $0x80  }
0x76: {  	[sflag:s8] =	ssyncset.done $0x0  }
0x77: {  	[sflag:s8] =	ssyncadd.s32 $0xFFFFFF80  }
0x78: {  	_ =	swait.ge [sflag:s8], $0x80  }
0x79: {  	[sflag:s8] =	ssyncset.done $0x0  }
0x7a: {  	[sflag:s8] =	ssyncadd.s32 $0xFFFFFF80  }
0x7b: {  	_ =	swait.ge [sflag:s8], $0x80  }
0x7c: {  	[sflag:s8] =	ssyncset.done $0x0  }
0x7d: {  	[sflag:s8] =	ssyncadd.s32 $0xFFFFFF80  }
0x7e: {  	_ =	swait.ge [sflag:s8], $0x80  }
0x7f: {  	[sflag:s8] =	ssyncset.done $0x0  }
0x80: {  	[sflag:s8] =	ssyncadd.s32 $0xFFFFFF80  }
0x81: {  	_ =	swait.ge [sflag:s8], $0x80  }
0x82: {  	[sflag:s8] =	ssyncset.done $0x0  }
0x83: {  	[sflag:s8] =	ssyncadd.s32 $0xFFFFFF80  }
0x84: {  	_ =	swait.ge [sflag:s8], $0x80  }
0x85: {  	[sflag:s8] =	ssyncset.done $0x0  }
0x86: {  	[sflag:s8] =	ssyncadd.s32 $0xFFFFFF80  }
0x87: {  	_ =	swait.ge [sflag:s8], $0x80  }
0x88: {  	[sflag:s8] =	ssyncset.done $0x0  }
0x89: {  	[sflag:s8] =	ssyncadd.s32 $0xFFFFFF80  }
0x8a: {  	_ =	swait.ge [sflag:s8], $0x80  }
0x8b: {  	[sflag:s8] =	ssyncset.done $0x0  }
0x8c: {  	[sflag:s8] =	ssyncadd.s32 $0xFFFFFF80  }
0x8d: {  	_ =	swait.ge [sflag:s8], $0x80  }
0x8e: {  	[sflag:s8] =	ssyncset.done $0x0  }
0x8f: {  	[sflag:s8] =	ssyncadd.s32 $0xFFFFFF80  }
0x90: {  	_ =	swait.ge [sflag:s8], $0x80  }
0x91: {  	[sflag:s8] =	ssyncset.done $0x0  }
0x92: {  	[sflag:s8] =	ssyncadd.s32 $0xFFFFFF80  }
0x93: {  	_ =	swait.ge [sflag:s8], $0x80  }
0x94: {  	[sflag:s8] =	ssyncset.done $0x0  }
0x95: {  	[sflag:s8] =	ssyncadd.s32 $0xFFFFFF80  }
0x96: {  	_ =	swait.ge [sflag:s8], $0x80  }
0x97: {  	[sflag:s8] =	ssyncset.done $0x0  }
0x98: {  	[sflag:s8] =	ssyncadd.s32 $0xFFFFFF80  }
0x99: {  	_ =	swait.ge [sflag:s8], $0x80  }
0x9a: {  	[sflag:s8] =	ssyncset.done $0x0  }
0x9b: {  	[sflag:s8] =	ssyncadd.s32 $0xFFFFFF80  }
0x9c: {  	_ =	swait.ge [sflag:s8], $0x80  }
0x9d: {  	[sflag:s8] =	ssyncset.done $0x0  }
0x9e: {  	[sflag:s8] =	ssyncadd.s32 $0xFFFFFF80  }
0x9f: {  	_ =	swait.ge [sflag:s8], $0x80  }
0xa0: {  	s11 =	simm.s32 $0x1F;
	[sflag:s8] =	ssyncset.done $0x0  }
.LBB2_4:
0xa1: {  	p0 =	sne.s32 s11, $0x1;
	s11 =	sadd.s32 $0xFFFFFFFF, s11;
	[sflag:s8] =	ssyncadd.s32 $0xFFFFFF80  }
0xa2: {  	_ =	swait.ge [sflag:s8], $0x80  }
0xa3: {  	[sflag:s8] =	ssyncset.done $0x0  }
0xa4: {  	[sflag:s8] =	ssyncadd.s32 $0xFFFFFF80  }
0xa5: {  	_ =	swait.ge [sflag:s8], $0x80  }
0xa6: {  	[sflag:s8] =	ssyncset.done $0x0  }
0xa7: {  	[sflag:s8] =	ssyncadd.s32 $0xFFFFFF80  }
0xa8: {  	_ =	swait.ge [sflag:s8], $0x80  }
0xa9: {  	[sflag:s8] =	ssyncset.done $0x0  }
0xaa: {  	[sflag:s8] =	ssyncadd.s32 $0xFFFFFF80  }
0xab: {  	_ =	swait.ge [sflag:s8], $0x80  }
0xac: {  	[sflag:s8] =	ssyncset.done $0x0  }
0xad: {  	[sflag:s8] =	ssyncadd.s32 $0xFFFFFF80  }
0xae: {  	_ =	swait.ge [sflag:s8], $0x80  }
0xaf: {  	[sflag:s8] =	ssyncset.done $0x0  }
0xb0: {  	[sflag:s8] =	ssyncadd.s32 $0xFFFFFF80  }
0xb1: {  	_ =	swait.ge [sflag:s8], $0x80  }
0xb2: {  	[sflag:s8] =	ssyncset.done $0x0  }
0xb3: {  	[sflag:s8] =	ssyncadd.s32 $0xFFFFFF80  }
0xb4: {  	_ =	swait.ge [sflag:s8], $0x80  }
0xb5: {  	[sflag:s8] =	ssyncset.done $0x0  }
0xb6: {  	[sflag:s8] =	ssyncadd.s32 $0xFFFFFF80  }
0xb7: {  	_ =	swait.ge [sflag:s8], $0x80  }
0xb8: {  	[sflag:s8] =	ssyncset.done $0x0  }
0xb9: {  	[sflag:s8] =	ssyncadd.s32 $0xFFFFFF80  }
0xba: {  	_ =	swait.ge [sflag:s8], $0x80  }
0xbb: {  	[sflag:s8] =	ssyncset.done $0x0  }
0xbc: {  	[sflag:s8] =	ssyncadd.s32 $0xFFFFFF80  }
0xbd: {  	_ =	swait.ge [sflag:s8], $0x80  }
0xbe: {  	[sflag:s8] =	ssyncset.done $0x0  }
0xbf: {  	[sflag:s8] =	ssyncadd.s32 $0xFFFFFF80  }
0xc0: {  	_ =	swait.ge [sflag:s8], $0x80  }
0xc1: {  	[sflag:s8] =	ssyncset.done $0x0  }
0xc2: {  	[sflag:s8] =	ssyncadd.s32 $0xFFFFFF80  }
0xc3: {  	_ =	swait.ge [sflag:s8], $0x80  }
0xc4: {  	[sflag:s8] =	ssyncset.done $0x0  }
0xc5: {  	[sflag:s8] =	ssyncadd.s32 $0xFFFFFF80  }
0xc6: {  	_ =	swait.ge [sflag:s8], $0x80  }
0xc7: {  	[sflag:s8] =	ssyncset.done $0x0  }
0xc8: {  	[sflag:s8] =	ssyncadd.s32 $0xFFFFFF80  }
0xc9: {  	_ =	swait.ge [sflag:s8], $0x80  }
0xca: {  	[sflag:s8] =	ssyncset.done $0x0  }
0xcb: {  	[sflag:s8] =	ssyncadd.s32 $0xFFFFFF80  }
.Ltmp1:
0xcc: {  	_ =	swait.ge [sflag:s8], $0x80;
	(pc) =	sbr.rel @p0 .LBB2_4-.Ltmp1, $4  }
0xcd: {  	[sflag:s8] =	ssyncset.done $0x0  }
0xce: {  	[sflag:s8] =	ssyncadd.s32 $0xFFFFFF80  }
0xcf: {  	_ =	swait.ge [sflag:s8], $0x80  }
0xd0: {  	[sflag:s8] =	ssyncset.done $0x0  }
0xd1: {  	s10 =	sadd.s32 $0x1, s10  }
0xd2: {  	p0 =	sne.s32 s10, s6  }
.Ltmp2:
0xd3: {  	[sflag:s8] =	ssyncadd.s32 $0xFFFFFF80;
	(pc) =	sbr.rel @p0 .LBB2_1-.Ltmp2, $4  }
0xd4: {  	[hbm4b:s5+s2] =	stream.linear.scatter [tilespmem:s9], [sflag:$0x2], $0x10000, $0x38;
	[tilespmem:$0x10200] =	vst v63  }
0xd5: {  	_ =	swait.ge [sflag:s7], $0x10000  }
0xd6: {  	[sflag:s7] =	ssyncset.done $0x0  }
0xd7: {  	[sflag:s7] =	ssyncadd.s32 $0xFFFF0000  }
0xd8: {  	_ =	sfence.sel $0x180000  }
0xd9: {  	[bflag:$0x0] =	sbarrier.arrive $0xFFFF  }
0xda: {  	p0 =	sne.s32 s1, $0x0;
	_ =	strace $0x90000047  }
0xdb: {  	s0 =	sadd.s32 @!p0 $0x100000, s0;
	[bflag:$0x2] =	sbarrier.arrive $0xFFFF  }
0xdc: {  	[sflag:s0] =	ssyncadd.tile.s32 @!p0 $0x1;
	_ =	shalt  }
.Lfunc_end2:
_tile_overlayer_lowered:
.L_overlay_start_2:
0xdd: {  	(tag) =	ssettag $0x2  }
0xde: {  	s0 =	rddreg [dreg:$0x0];
	s2 =	stileid.u32  }
0xdf: {  	s1 =	rddreg [dreg:$0x1];
	p0 =	sne.s32 s2, $0x0  }
0xe0: {  	s3 =	rddreg [dreg:$0x2];
	[bflag:$0x3] =	sbarrier.arrive $0xFFFF;
	s2 =	simm.s32 @!p0 $0x1C02  }
0xe1: {  	[timem:s3], [sflag:s2] =	dma.local @!p0 [hbm:s0], s1  }
0xe2: {  	s0 =	simm.s32 @!p0 $0x2  }
0xe3: {  	_ =	swait.ge @!p0 [sflag:s0], s1  }
0xe4: {  	s1 =	ssub.s32 @!p0 $0x0, s1;
	[sflag:s0] =	ssyncset.done @!p0 $0x0  }
0xe5: {  	[sflag:s0] =	ssyncadd.s32 @!p0 s1  }
0xe6: {  	[bflag:$0x3] =	sbarrier.arrive $0xFFFF  }
0xe7: {  	_ =	shalt  }

</sc_bundles>
